<compile_context>
chip_gen: v7x
topology: tpu7x:2x2x1
jax: 0.10.2.dev20260603
libtpu: 0.0.44.dev20260713+nightly
codegen_flags: <defaults>
</compile_context>

<pallas_src>
import functools

import jax
import jax.numpy as jnp
from jax import lax
from jax.experimental import pallas as pl
from jax.experimental.pallas import tpu as pltpu
from jax.experimental.pallas import tpu_sc as plsc

B_ = 4096
L_ = 200
H_ = 128
V_ = 32
N_ = B_ * L_

NC_ = 2
NS_ = 16
NW = NC_ * NS_
NPW = N_ // NW
C_ = 128
NB_ = 4
NCH = NPW // C_
TR_ = V_ + 8
LANES = 16


def _table_body(tok_ref, atom_ref, out_ref):
    out_ref[0:V_, :] = tok_ref[:, :]
    s = jnp.sum(atom_ref[:, :], axis=0, keepdims=True)
    out_ref[V_:TR_, :] = jnp.broadcast_to(s, (TR_ - V_, H_))


_build_table = pl.pallas_call(
    _table_body,
    out_shape=jax.ShapeDtypeStruct((TR_, H_), jnp.float32),
)


def _lookup_body(x_hbm, m_hbm, table_hbm, out_hbm, idx_v, m_v, rows_v, spm,
                 gsem0, gsem1, gsem2, gsem3, ssem0, ssem1, ssem2, ssem3):
    gsems = (gsem0, gsem1, gsem2, gsem3)
    ssems = (ssem0, ssem1, ssem2, ssem3)
    cid = lax.axis_index("c")
    sid = lax.axis_index("s")
    wid = sid * NC_ + cid
    base = wid * NPW

    pltpu.sync_copy(table_hbm, spm.at[pl.ds(sid * TR_, TR_)])
    pltpu.sync_copy(x_hbm.at[pl.ds(base, NPW)], idx_v)
    pltpu.sync_copy(m_hbm.at[pl.ds(base, NPW)], m_v)

    mask_idx = jnp.full((LANES,), V_, jnp.int32)
    off = sid * TR_

    @pl.loop(0, NPW // LANES)
    def _sel(i):
        sl = pl.ds(i * LANES, LANES)
        idx_v[sl] = jnp.where(m_v[sl] != 0, mask_idx, idx_v[sl]) + off

    def _gather(g, b):
        return pltpu.make_async_copy(
            spm.at[idx_v.at[pl.ds(g * C_, C_)]], rows_v.at[b], gsems[b])

    def _scatter(g, b):
        return pltpu.make_async_copy(
            rows_v.at[b], out_hbm.at[pl.ds(base + g * C_, C_)], ssems[b])

    @pl.loop(0, NCH // NB_)
    def _pipe(ki):
        for b in range(NB_):
            g = ki * NB_ + b

            @pl.when(ki > 0)
            def _():
                _scatter(g - NB_, b).wait()

            _gather(g, b).start()
            _gather(g, b).wait()
            _scatter(g, b).start()

    for b in range(NB_):
        _scatter(NCH - NB_ + b, b).wait()


_lookup = functools.partial(
    pl.kernel,
    mesh=plsc.VectorSubcoreMesh(core_axis_name="c", subcore_axis_name="s"),
    out_type=jax.ShapeDtypeStruct((N_, H_), jnp.float32),
    scratch_types=[
        pltpu.VMEM((NPW,), jnp.int32),
        pltpu.VMEM((NPW,), jnp.int32),
        pltpu.VMEM((NB_, C_, H_), jnp.float32),
        pltpu.VMEM_SHARED((NS_ * TR_, H_), jnp.float32),
    ] + [pltpu.SemaphoreType.DMA] * (2 * NB_),
)(_lookup_body)


def kernel(x, mask_aa, token_embed, atom_mask_embedding):
    xf = x.reshape(N_).astype(jnp.int32)
    mf = mask_aa.reshape(N_).astype(jnp.int32)
    table = _build_table(token_embed, atom_mask_embedding)
    out = _lookup(xf, mf, table)
    return out.reshape(B_, L_, H_)

# --- scband reference (transcript-rebuilt; emitter-appended) ---
"""Pipeline reference for scband-residue-feature-6949257085353 (READ-ONLY COPY).

The authoritative reference and input builder live on the scoring server;
editing this copy changes nothing except your own understanding.
"""

import jax, jax.numpy as jnp
import numpy as np

NUM_RESIDUES = 32
HIDDEN_DIM = 128
B = 4096
L = 200

def setup_inputs(seed: int = 0) -> dict:
    key = jax.random.key(seed)
    k1, k2, k3, k4 = jax.random.split(key, 4)
    x = jax.random.randint(k1, (B, L), 0, NUM_RESIDUES, dtype=jnp.int64 if jax.config.jax_enable_x64 else jnp.int32)
    mask_aa = jax.random.randint(k2, (B, L, 1), 0, 2, dtype=jnp.int64 if jax.config.jax_enable_x64 else jnp.int32)
    token_embed = jax.random.normal(k3, (NUM_RESIDUES, HIDDEN_DIM), dtype=jnp.float32)
    atom_mask_embedding = jax.random.normal(k4, (9, HIDDEN_DIM), dtype=jnp.float32)
    return {"x": x, "mask_aa": mask_aa, "token_embed": token_embed, "atom_mask_embedding": atom_mask_embedding}

def reference(x, mask_aa, token_embed, atom_mask_embedding):
    # 1. learnable embedding lookup of residue type  (gather)
    emb = jnp.take(token_embed, x, axis=0)  # [B, L, H]
    # 2. mask embedding = sum over the 9 atom-mask embedding rows
    mask_embedding = atom_mask_embedding.sum(axis=0)  # [H]
    # 3. overwrite masked positions with the mask embedding
    mask = mask_aa.astype(bool).squeeze(-1)  # [B, L]
    out = jnp.where(mask[..., None], mask_embedding[None, None, :], emb)
    return out

if __name__ == "__main__":
    import jax
    _d = setup_inputs()
    print(jax.jit(kernel)(*tuple(_d.values())))

</pallas_src>

<mosaic_0001>
#map = affine_map<(d0, d1) -> (0)>
#map1 = affine_map<(d0, d1) -> (0, 0)>
module attributes {stable_mosaic.version = 14 : i64} {
  func.func @_lookup_body(%arg0: i32, %arg1: i32, %arg2: memref<819200xi32, #tpu.memory_space<hbm>>, %arg3: memref<819200xi32, #tpu.memory_space<hbm>>, %arg4: memref<40x128xf32, #tpu.memory_space<hbm>>, %arg5: memref<819200x128xf32, #tpu.memory_space<hbm>>, %arg6: memref<25600xi32, #tpu.memory_space<vmem>>, %arg7: memref<25600xi32, #tpu.memory_space<vmem>>, %arg8: memref<4x128x128xf32, #tpu.memory_space<vmem>>, %arg9: memref<640x128xf32, #tpu.memory_space<vmem_shared>>, %arg10: memref<!tpu.dma_semaphore, #tpu.memory_space<semaphore_mem>>, %arg11: memref<!tpu.dma_semaphore, #tpu.memory_space<semaphore_mem>>, %arg12: memref<!tpu.dma_semaphore, #tpu.memory_space<semaphore_mem>>, %arg13: memref<!tpu.dma_semaphore, #tpu.memory_space<semaphore_mem>>, %arg14: memref<!tpu.dma_semaphore, #tpu.memory_space<semaphore_mem>>, %arg15: memref<!tpu.dma_semaphore, #tpu.memory_space<semaphore_mem>>, %arg16: memref<!tpu.dma_semaphore, #tpu.memory_space<semaphore_mem>>, %arg17: memref<!tpu.dma_semaphore, #tpu.memory_space<semaphore_mem>>) attributes {dimension_semantics = [#tpu.dimension_semantics<core_parallel>, #tpu.dimension_semantics<subcore_parallel>], iteration_bounds = array<i64: 2, 16>, scalar_prefetch = 0 : i64, scratch_operands = 12 : i64, tpu.core_type = #tpu.core_type<sc_vector_subcore>, window_params = [{transform_indices = #map}, {transform_indices = #map}, {transform_indices = #map1}, {transform_indices = #map1}]} {
    %mul3A = arith.constant 2 : i32
    %mul3A_0 = arith.muli %arg1, %mul3A : i32
    %add3A = arith.addi %mul3A_0, %arg0 : i32
    %mul3A_1 = arith.constant 25600 : i32
    %mul3A_2 = arith.muli %add3A, %mul3A_1 : i32
    %mul3A_3 = arith.constant 40 : i32
    %mul3A_4 = arith.muli %arg1, %mul3A_3 : i32
    "tpu.region"() ({
      %run_scoped3A = tpu.sem_alloc : memref<!tpu.dma_semaphore, #tpu.memory_space<semaphore_mem>>
      %dma_start3A = arith.constant 0 : i32
      %dma_start3A_76 = tpu.memref_slice %arg9[%mul3A_4, %dma_start3A] : memref<640x128xf32, #tpu.memory_space<vmem_shared>> -> memref<40x128xf32, #tpu.memory_space<vmem_shared>>
      tpu.enqueue_dma source(%arg4 : memref<40x128xf32, #tpu.memory_space<hbm>>) target(%dma_start3A_76 : memref<40x128xf32, #tpu.memory_space<vmem_shared>>) target_semaphore(%run_scoped3A : memref<!tpu.dma_semaphore, #tpu.memory_space<semaphore_mem>>)
      %dma_wait3A_77 = arith.constant 0 : i32
      %dma_wait3A_78 = tpu.memref_slice %arg9[%mul3A_4, %dma_wait3A_77] : memref<640x128xf32, #tpu.memory_space<vmem_shared>> -> memref<40x128xf32, #tpu.memory_space<vmem_shared>>
      tpu.wait_dma2 semaphore(%run_scoped3A : memref<!tpu.dma_semaphore, #tpu.memory_space<semaphore_mem>>) src(%arg4 : memref<40x128xf32, #tpu.memory_space<hbm>>) dst(%dma_wait3A_78 : memref<40x128xf32, #tpu.memory_space<vmem_shared>>)
      tpu.yield
    }) : () -> ()
    "tpu.region"() ({
      %run_scoped3A = tpu.sem_alloc : memref<!tpu.dma_semaphore, #tpu.memory_space<semaphore_mem>>
      %dma_start3A = tpu.memref_slice %arg2[%mul3A_2] : memref<819200xi32, #tpu.memory_space<hbm>> -> memref<25600xi32, #tpu.memory_space<hbm>>
      %dma_start3A_76 = tpu.memref_slice %arg2[%mul3A_2] : memref<819200xi32, #tpu.memory_space<hbm>> -> memref<25600xi32, #tpu.memory_space<hbm>>
      tpu.enqueue_dma source(%dma_start3A_76 : memref<25600xi32, #tpu.memory_space<hbm>>) target(%arg6 : memref<25600xi32, #tpu.memory_space<vmem>>) target_semaphore(%run_scoped3A : memref<!tpu.dma_semaphore, #tpu.memory_space<semaphore_mem>>)
      %dma_wait3A_77 = tpu.memref_slice %arg2[%mul3A_2] : memref<819200xi32, #tpu.memory_space<hbm>> -> memref<25600xi32, #tpu.memory_space<hbm>>
      %dma_wait3A_78 = tpu.memref_slice %arg2[%mul3A_2] : memref<819200xi32, #tpu.memory_space<hbm>> -> memref<25600xi32, #tpu.memory_space<hbm>>
      tpu.wait_dma2 semaphore(%run_scoped3A : memref<!tpu.dma_semaphore, #tpu.memory_space<semaphore_mem>>) src(%dma_wait3A_78 : memref<25600xi32, #tpu.memory_space<hbm>>) dst(%arg6 : memref<25600xi32, #tpu.memory_space<vmem>>)
      tpu.yield
    }) : () -> ()
    "tpu.region"() ({
      %run_scoped3A = tpu.sem_alloc : memref<!tpu.dma_semaphore, #tpu.memory_space<semaphore_mem>>
      %dma_start3A = tpu.memref_slice %arg3[%mul3A_2] : memref<819200xi32, #tpu.memory_space<hbm>> -> memref<25600xi32, #tpu.memory_space<hbm>>
      %dma_start3A_76 = tpu.memref_slice %arg3[%mul3A_2] : memref<819200xi32, #tpu.memory_space<hbm>> -> memref<25600xi32, #tpu.memory_space<hbm>>
      tpu.enqueue_dma source(%dma_start3A_76 : memref<25600xi32, #tpu.memory_space<hbm>>) target(%arg7 : memref<25600xi32, #tpu.memory_space<vmem>>) target_semaphore(%run_scoped3A : memref<!tpu.dma_semaphore, #tpu.memory_space<semaphore_mem>>)
      %dma_wait3A_77 = tpu.memref_slice %arg3[%mul3A_2] : memref<819200xi32, #tpu.memory_space<hbm>> -> memref<25600xi32, #tpu.memory_space<hbm>>
      %dma_wait3A_78 = tpu.memref_slice %arg3[%mul3A_2] : memref<819200xi32, #tpu.memory_space<hbm>> -> memref<25600xi32, #tpu.memory_space<hbm>>
      tpu.wait_dma2 semaphore(%run_scoped3A : memref<!tpu.dma_semaphore, #tpu.memory_space<semaphore_mem>>) src(%dma_wait3A_78 : memref<25600xi32, #tpu.memory_space<hbm>>) dst(%arg7 : memref<25600xi32, #tpu.memory_space<vmem>>)
      tpu.yield
    }) : () -> ()
    %broadcast_in_dim3A = arith.constant 32 : i32
    %broadcast_in_dim3A_5 = vector.broadcast %broadcast_in_dim3A : i32 to vector<16xi32>
    %mul3A_6 = arith.constant 40 : i32
    %mul3A_7 = arith.muli %arg1, %mul3A_6 : i32
    %scan3A = arith.constant 0 : i32
    %scan3A_8 = arith.constant 1600 : i32
    %scan3A_9 = arith.addi %scan3A, %scan3A_8 : i32
    %scan3A_10 = arith.constant 1 : i32
    scf.for %scan3A_76 = %scan3A to %scan3A_9 step %scan3A_10  : i32 {
      %mul3A_77 = arith.constant 1 : i32
      %mul3A_78 = arith.muli %scan3A_76, %mul3A_77 : i32
      %add3A_79 = arith.constant 0 : i32
      %add3A_80 = arith.addi %add3A_79, %mul3A_78 : i32
      %mul3A_81 = arith.constant 16 : i32
      %mul3A_82 = arith.muli %add3A_80, %mul3A_81 : i32
      %get3A = arith.index_cast %mul3A_82 : i32 to index
      %get3A_83 = tpu.vector_load %arg7[%get3A] {strides = array<i32>} : memref<25600xi32, #tpu.memory_space<vmem>>, vector<16xi32>,
      %get3A_84 = vector.shape_cast %get3A_83 : vector<16xi32> to vector<16xi32>
      %ne3A = arith.constant 0 : i32
      %ne3A_85 = vector.broadcast %ne3A : i32 to vector<16xi32>
      %ne3A_86 = arith.cmpi ne, %get3A_84, %ne3A_85 : vector<16xi32>
      %get3A_87 = arith.index_cast %mul3A_82 : i32 to index
      %get3A_88 = tpu.vector_load %arg6[%get3A_87] {strides = array<i32>} : memref<25600xi32, #tpu.memory_space<vmem>>, vector<16xi32>,
      %get3A_89 = vector.shape_cast %get3A_88 : vector<16xi32> to vector<16xi32>
      %select_n3A = arith.select %ne3A_86, %broadcast_in_dim3A_5, %get3A_89 : vector<16xi1>, vector<16xi32>
      %add3A_90 = vector.broadcast %mul3A_7 : i32 to vector<16xi32>
      %add3A_91 = arith.addi %select_n3A, %add3A_90 : vector<16xi32>
      %swap3A = arith.index_cast %mul3A_82 : i32 to index
      %swap3A_92 = tpu.vector_load %arg6[%swap3A] {strides = array<i32>} : memref<25600xi32, #tpu.memory_space<vmem>>, vector<16xi32>,
      %swap3A_93 = vector.shape_cast %swap3A_92 : vector<16xi32> to vector<16xi32>
      %swap3A_94 = vector.shape_cast %add3A_91 : vector<16xi32> to vector<16xi32>
      tpu.vector_store %arg6[%swap3A], %swap3A_94 {strides = array<i32>} : memref<25600xi32, #tpu.memory_space<vmem>>, vector<16xi32>,
    }
    %scan3A_11 = arith.constant 1600 : i32
    %scan3A_12 = arith.constant 0 : i32
    %scan3A_13 = arith.constant 50 : i32
    %scan3A_14 = arith.addi %scan3A_12, %scan3A_13 : i32
    %scan3A_15 = arith.constant 1 : i32
    scf.for %scan3A_76 = %scan3A_12 to %scan3A_14 step %scan3A_15  : i32 {
      %mul3A_77 = arith.constant 1 : i32
      %mul3A_78 = arith.muli %scan3A_76, %mul3A_77 : i32
      %add3A_79 = arith.constant 0 : i32
      %add3A_80 = arith.addi %add3A_79, %mul3A_78 : i32
      %mul3A_81 = arith.constant 4 : i32
      %mul3A_82 = arith.muli %add3A_80, %mul3A_81 : i32
      %add3A_83 = arith.constant 0 : i32
      %add3A_84 = arith.addi %mul3A_82, %add3A_83 : i32
      %gt3A = arith.constant 0 : i32
      %gt3A_85 = arith.cmpi sgt, %add3A_80, %gt3A : i32
      %convert_element_type3A = arith.extui %gt3A_85 : i1 to i32
      %cond3A = arith.constant 0 : i32
      %cond3A_86 = arith.cmpi ne, %convert_element_type3A, %cond3A : i32
      scf.if %cond3A_86 {
        %sub3A = arith.constant 4 : i32
        %sub3A_265 = arith.subi %add3A_84, %sub3A : i32
        %mul3A_266 = arith.constant 128 : i32
        %mul3A_267 = arith.muli %sub3A_265, %mul3A_266 : i32
        %add3A_268 = arith.addi %mul3A_2, %mul3A_267 : i32
        %dma_wait3A_269 = arith.constant 0 : i32
        %dma_wait3A_270 = arith.constant 0 : i32
        %dma_wait3A_271 = arith.constant 0 : i32
        %dma_wait3A_272 = tpu.memref_slice %arg8[%dma_wait3A_269, %dma_wait3A_270, %dma_wait3A_271] : memref<4x128x128xf32, #tpu.memory_space<vmem>> -> memref<1x128x128xf32, #tpu.memory_space<vmem>>
        %dma_wait3A_273 = tpu.memref_squeeze %dma_wait3A_272 : memref<1x128x128xf32, #tpu.memory_space<vmem>> -> memref<128x128xf32, #tpu.memory_space<vmem>>
        %dma_wait3A_274 = arith.constant 0 : i32
        %dma_wait3A_275 = tpu.memref_slice %arg5[%add3A_268, %dma_wait3A_274] : memref<819200x128xf32, #tpu.memory_space<hbm>> -> memref<128x128xf32, #tpu.memory_space<hbm>>
        %dma_wait3A_276 = arith.constant 0 : i32
        %dma_wait3A_277 = tpu.memref_slice %arg5[%add3A_268, %dma_wait3A_276] : memref<819200x128xf32, #tpu.memory_space<hbm>> -> memref<128x128xf32, #tpu.memory_space<hbm>>
        %dma_wait3A_278 = arith.constant 0 : i32
        %dma_wait3A_279 = arith.constant 0 : i32
        %dma_wait3A_280 = tpu.memref_slice %arg8[%dma_wait3A_269, %dma_wait3A_278, %dma_wait3A_279] : memref<4x128x128xf32, #tpu.memory_space<vmem>> -> memref<1x128x128xf32, #tpu.memory_space<vmem>>
        %dma_wait3A_281 = tpu.memref_squeeze %dma_wait3A_280 : memref<1x128x128xf32, #tpu.memory_space<vmem>> -> memref<128x128xf32, #tpu.memory_space<vmem>>
        tpu.wait_dma2 semaphore(%arg14 : memref<!tpu.dma_semaphore, #tpu.memory_space<semaphore_mem>>) src(%dma_wait3A_281 : memref<128x128xf32, #tpu.memory_space<vmem>>) dst(%dma_wait3A_277 : memref<128x128xf32, #tpu.memory_space<hbm>>)
      } else {
      }
      %mul3A_87 = arith.constant 128 : i32
      %mul3A_88 = arith.muli %add3A_84, %mul3A_87 : i32
      %dma_start3A = arith.constant 0 : i32
      %dma_start3A_89 = arith.constant 0 : i32
      %dma_start3A_90 = arith.constant 0 : i32
      %dma_start3A_91 = tpu.memref_slice %arg8[%dma_start3A, %dma_start3A_89, %dma_start3A_90] : memref<4x128x128xf32, #tpu.memory_space<vmem>> -> memref<1x128x128xf32, #tpu.memory_space<vmem>>
      %dma_start3A_92 = tpu.memref_squeeze %dma_start3A_91 : memref<1x128x128xf32, #tpu.memory_space<vmem>> -> memref<128x128xf32, #tpu.memory_space<vmem>>
      %dma_start3A_93 = tpu.memref_slice %arg6[%mul3A_88] : memref<25600xi32, #tpu.memory_space<vmem>> -> memref<128xi32, #tpu.memory_space<vmem>>
      %dma_start3A_94 = arith.constant 0 : i32
      %dma_start3A_95 = arith.constant 0 : i32
      %dma_start3A_96 = tpu.memref_slice %arg9[%dma_start3A_94, %dma_start3A_95] : memref<640x128xf32, #tpu.memory_space<vmem_shared>> -> memref<640x128xf32, #tpu.memory_space<vmem_shared>>
      tpu.enqueue_indirect_dma source(%dma_start3A_96 : memref<640x128xf32, #tpu.memory_space<vmem_shared>>) target(%dma_start3A_92 : memref<128x128xf32, #tpu.memory_space<vmem>>) offsets(%dma_start3A_93 : memref<128xi32, #tpu.memory_space<vmem>>) semaphore(%arg10 : memref<!tpu.dma_semaphore, #tpu.memory_space<semaphore_mem>>)
      %mul3A_97 = arith.constant 128 : i32
      %mul3A_98 = arith.muli %add3A_84, %mul3A_97 : i32
      %dma_wait3A_99 = arith.constant 0 : i32
      %dma_wait3A_100 = arith.constant 0 : i32
      %dma_wait3A_101 = arith.constant 0 : i32
      %dma_wait3A_102 = tpu.memref_slice %arg8[%dma_wait3A_99, %dma_wait3A_100, %dma_wait3A_101] : memref<4x128x128xf32, #tpu.memory_space<vmem>> -> memref<1x128x128xf32, #tpu.memory_space<vmem>>
      %dma_wait3A_103 = tpu.memref_squeeze %dma_wait3A_102 : memref<1x128x128xf32, #tpu.memory_space<vmem>> -> memref<128x128xf32, #tpu.memory_space<vmem>>
      %dma_wait3A_104 = tpu.memref_slice %arg6[%mul3A_98] : memref<25600xi32, #tpu.memory_space<vmem>> -> memref<128xi32, #tpu.memory_space<vmem>>
      %dma_wait3A_105 = arith.constant 0 : i32
      %dma_wait3A_106 = arith.constant 0 : i32
      %dma_wait3A_107 = tpu.memref_slice %arg9[%dma_wait3A_105, %dma_wait3A_106] : memref<640x128xf32, #tpu.memory_space<vmem_shared>> -> memref<640x128xf32, #tpu.memory_space<vmem_shared>>
      tpu.wait_indirect_dma semaphore(%arg10 : memref<!tpu.dma_semaphore, #tpu.memory_space<semaphore_mem>>) src(%dma_wait3A_107 : memref<640x128xf32, #tpu.memory_space<vmem_shared>>) dst(%dma_wait3A_103 : memref<128x128xf32, #tpu.memory_space<vmem>>)
      %mul3A_108 = arith.constant 128 : i32
      %mul3A_109 = arith.muli %add3A_84, %mul3A_108 : i32
      %add3A_110 = arith.addi %mul3A_2, %mul3A_109 : i32
      %dma_start3A_111 = arith.constant 0 : i32
      %dma_start3A_112 = arith.constant 0 : i32
      %dma_start3A_113 = arith.constant 0 : i32
      %dma_start3A_114 = tpu.memref_slice %arg8[%dma_start3A_111, %dma_start3A_112, %dma_start3A_113] : memref<4x128x128xf32, #tpu.memory_space<vmem>> -> memref<1x128x128xf32, #tpu.memory_space<vmem>>
      %dma_start3A_115 = tpu.memref_squeeze %dma_start3A_114 : memref<1x128x128xf32, #tpu.memory_space<vmem>> -> memref<128x128xf32, #tpu.memory_space<vmem>>
      %dma_start3A_116 = arith.constant 0 : i32
      %dma_start3A_117 = tpu.memref_slice %arg5[%add3A_110, %dma_start3A_116] : memref<819200x128xf32, #tpu.memory_space<hbm>> -> memref<128x128xf32, #tpu.memory_space<hbm>>
      %dma_start3A_118 = arith.constant 0 : i32
      %dma_start3A_119 = tpu.memref_slice %arg5[%add3A_110, %dma_start3A_118] : memref<819200x128xf32, #tpu.memory_space<hbm>> -> memref<128x128xf32, #tpu.memory_space<hbm>>
      %dma_start3A_120 = arith.constant 0 : i32
      %dma_start3A_121 = arith.constant 0 : i32
      %dma_start3A_122 = tpu.memref_slice %arg8[%dma_start3A_111, %dma_start3A_120, %dma_start3A_121] : memref<4x128x128xf32, #tpu.memory_space<vmem>> -> memref<1x128x128xf32, #tpu.memory_space<vmem>>
      %dma_start3A_123 = tpu.memref_squeeze %dma_start3A_122 : memref<1x128x128xf32, #tpu.memory_space<vmem>> -> memref<128x128xf32, #tpu.memory_space<vmem>>
      tpu.enqueue_dma source(%dma_start3A_123 : memref<128x128xf32, #tpu.memory_space<vmem>>) target(%dma_start3A_119 : memref<128x128xf32, #tpu.memory_space<hbm>>) target_semaphore(%arg14 : memref<!tpu.dma_semaphore, #tpu.memory_space<semaphore_mem>>)
      %mul3A_124 = arith.constant 4 : i32
      %mul3A_125 = arith.muli %add3A_80, %mul3A_124 : i32
      %add3A_126 = arith.constant 1 : i32
      %add3A_127 = arith.addi %mul3A_125, %add3A_126 : i32
      %gt3A_128 = arith.constant 0 : i32
      %gt3A_129 = arith.cmpi sgt, %add3A_80, %gt3A_128 : i32
      %convert_element_type3A_130 = arith.extui %gt3A_129 : i1 to i32
      %cond3A_131 = arith.constant 0 : i32
      %cond3A_132 = arith.cmpi ne, %convert_element_type3A_130, %cond3A_131 : i32
      scf.if %cond3A_132 {
        %sub3A = arith.constant 4 : i32
        %sub3A_265 = arith.subi %add3A_127, %sub3A : i32
        %mul3A_266 = arith.constant 128 : i32
        %mul3A_267 = arith.muli %sub3A_265, %mul3A_266 : i32
        %add3A_268 = arith.addi %mul3A_2, %mul3A_267 : i32
        %dma_wait3A_269 = arith.constant 1 : i32
        %dma_wait3A_270 = arith.constant 0 : i32
        %dma_wait3A_271 = arith.constant 0 : i32
        %dma_wait3A_272 = tpu.memref_slice %arg8[%dma_wait3A_269, %dma_wait3A_270, %dma_wait3A_271] : memref<4x128x128xf32, #tpu.memory_space<vmem>> -> memref<1x128x128xf32, #tpu.memory_space<vmem>>
        %dma_wait3A_273 = tpu.memref_squeeze %dma_wait3A_272 : memref<1x128x128xf32, #tpu.memory_space<vmem>> -> memref<128x128xf32, #tpu.memory_space<vmem>>
        %dma_wait3A_274 = arith.constant 0 : i32
        %dma_wait3A_275 = tpu.memref_slice %arg5[%add3A_268, %dma_wait3A_274] : memref<819200x128xf32, #tpu.memory_space<hbm>> -> memref<128x128xf32, #tpu.memory_space<hbm>>
        %dma_wait3A_276 = arith.constant 0 : i32
        %dma_wait3A_277 = tpu.memref_slice %arg5[%add3A_268, %dma_wait3A_276] : memref<819200x128xf32, #tpu.memory_space<hbm>> -> memref<128x128xf32, #tpu.memory_space<hbm>>
        %dma_wait3A_278 = arith.constant 0 : i32
        %dma_wait3A_279 = arith.constant 0 : i32
        %dma_wait3A_280 = tpu.memref_slice %arg8[%dma_wait3A_269, %dma_wait3A_278, %dma_wait3A_279] : memref<4x128x128xf32, #tpu.memory_space<vmem>> -> memref<1x128x128xf32, #tpu.memory_space<vmem>>
        %dma_wait3A_281 = tpu.memref_squeeze %dma_wait3A_280 : memref<1x128x128xf32, #tpu.memory_space<vmem>> -> memref<128x128xf32, #tpu.memory_space<vmem>>
        tpu.wait_dma2 semaphore(%arg15 : memref<!tpu.dma_semaphore, #tpu.memory_space<semaphore_mem>>) src(%dma_wait3A_281 : memref<128x128xf32, #tpu.memory_space<vmem>>) dst(%dma_wait3A_277 : memref<128x128xf32, #tpu.memory_space<hbm>>)
      } else {
      }
      %mul3A_133 = arith.constant 128 : i32
      %mul3A_134 = arith.muli %add3A_127, %mul3A_133 : i32
      %dma_start3A_135 = arith.constant 1 : i32
      %dma_start3A_136 = arith.constant 0 : i32
      %dma_start3A_137 = arith.constant 0 : i32
      %dma_start3A_138 = tpu.memref_slice %arg8[%dma_start3A_135, %dma_start3A_136, %dma_start3A_137] : memref<4x128x128xf32, #tpu.memory_space<vmem>> -> memref<1x128x128xf32, #tpu.memory_space<vmem>>
      %dma_start3A_139 = tpu.memref_squeeze %dma_start3A_138 : memref<1x128x128xf32, #tpu.memory_space<vmem>> -> memref<128x128xf32, #tpu.memory_space<vmem>>
      %dma_start3A_140 = tpu.memref_slice %arg6[%mul3A_134] : memref<25600xi32, #tpu.memory_space<vmem>> -> memref<128xi32, #tpu.memory_space<vmem>>
      %dma_start3A_141 = arith.constant 0 : i32
      %dma_start3A_142 = arith.constant 0 : i32
      %dma_start3A_143 = tpu.memref_slice %arg9[%dma_start3A_141, %dma_start3A_142] : memref<640x128xf32, #tpu.memory_space<vmem_shared>> -> memref<640x128xf32, #tpu.memory_space<vmem_shared>>
      tpu.enqueue_indirect_dma source(%dma_start3A_143 : memref<640x128xf32, #tpu.memory_space<vmem_shared>>) target(%dma_start3A_139 : memref<128x128xf32, #tpu.memory_space<vmem>>) offsets(%dma_start3A_140 : memref<128xi32, #tpu.memory_space<vmem>>) semaphore(%arg11 : memref<!tpu.dma_semaphore, #tpu.memory_space<semaphore_mem>>)
      %mul3A_144 = arith.constant 128 : i32
      %mul3A_145 = arith.muli %add3A_127, %mul3A_144 : i32
      %dma_wait3A_146 = arith.constant 1 : i32
      %dma_wait3A_147 = arith.constant 0 : i32
      %dma_wait3A_148 = arith.constant 0 : i32
      %dma_wait3A_149 = tpu.memref_slice %arg8[%dma_wait3A_146, %dma_wait3A_147, %dma_wait3A_148] : memref<4x128x128xf32, #tpu.memory_space<vmem>> -> memref<1x128x128xf32, #tpu.memory_space<vmem>>
      %dma_wait3A_150 = tpu.memref_squeeze %dma_wait3A_149 : memref<1x128x128xf32, #tpu.memory_space<vmem>> -> memref<128x128xf32, #tpu.memory_space<vmem>>
      %dma_wait3A_151 = tpu.memref_slice %arg6[%mul3A_145] : memref<25600xi32, #tpu.memory_space<vmem>> -> memref<128xi32, #tpu.memory_space<vmem>>
      %dma_wait3A_152 = arith.constant 0 : i32
      %dma_wait3A_153 = arith.constant 0 : i32
      %dma_wait3A_154 = tpu.memref_slice %arg9[%dma_wait3A_152, %dma_wait3A_153] : memref<640x128xf32, #tpu.memory_space<vmem_shared>> -> memref<640x128xf32, #tpu.memory_space<vmem_shared>>
      tpu.wait_indirect_dma semaphore(%arg11 : memref<!tpu.dma_semaphore, #tpu.memory_space<semaphore_mem>>) src(%dma_wait3A_154 : memref<640x128xf32, #tpu.memory_space<vmem_shared>>) dst(%dma_wait3A_150 : memref<128x128xf32, #tpu.memory_space<vmem>>)
      %mul3A_155 = arith.constant 128 : i32
      %mul3A_156 = arith.muli %add3A_127, %mul3A_155 : i32
      %add3A_157 = arith.addi %mul3A_2, %mul3A_156 : i32
      %dma_start3A_158 = arith.constant 1 : i32
      %dma_start3A_159 = arith.constant 0 : i32
      %dma_start3A_160 = arith.constant 0 : i32
      %dma_start3A_161 = tpu.memref_slice %arg8[%dma_start3A_158, %dma_start3A_159, %dma_start3A_160] : memref<4x128x128xf32, #tpu.memory_space<vmem>> -> memref<1x128x128xf32, #tpu.memory_space<vmem>>
      %dma_start3A_162 = tpu.memref_squeeze %dma_start3A_161 : memref<1x128x128xf32, #tpu.memory_space<vmem>> -> memref<128x128xf32, #tpu.memory_space<vmem>>
      %dma_start3A_163 = arith.constant 0 : i32
      %dma_start3A_164 = tpu.memref_slice %arg5[%add3A_157, %dma_start3A_163] : memref<819200x128xf32, #tpu.memory_space<hbm>> -> memref<128x128xf32, #tpu.memory_space<hbm>>
      %dma_start3A_165 = arith.constant 0 : i32
      %dma_start3A_166 = tpu.memref_slice %arg5[%add3A_157, %dma_start3A_165] : memref<819200x128xf32, #tpu.memory_space<hbm>> -> memref<128x128xf32, #tpu.memory_space<hbm>>
      %dma_start3A_167 = arith.constant 0 : i32
      %dma_start3A_168 = arith.constant 0 : i32
      %dma_start3A_169 = tpu.memref_slice %arg8[%dma_start3A_158, %dma_start3A_167, %dma_start3A_168] : memref<4x128x128xf32, #tpu.memory_space<vmem>> -> memref<1x128x128xf32, #tpu.memory_space<vmem>>
      %dma_start3A_170 = tpu.memref_squeeze %dma_start3A_169 : memref<1x128x128xf32, #tpu.memory_space<vmem>> -> memref<128x128xf32, #tpu.memory_space<vmem>>
      tpu.enqueue_dma source(%dma_start3A_170 : memref<128x128xf32, #tpu.memory_space<vmem>>) target(%dma_start3A_166 : memref<128x128xf32, #tpu.memory_space<hbm>>) target_semaphore(%arg15 : memref<!tpu.dma_semaphore, #tpu.memory_space<semaphore_mem>>)
      %mul3A_171 = arith.constant 4 : i32
      %mul3A_172 = arith.muli %add3A_80, %mul3A_171 : i32
      %add3A_173 = arith.constant 2 : i32
      %add3A_174 = arith.addi %mul3A_172, %add3A_173 : i32
      %gt3A_175 = arith.constant 0 : i32
      %gt3A_176 = arith.cmpi sgt, %add3A_80, %gt3A_175 : i32
      %convert_element_type3A_177 = arith.extui %gt3A_176 : i1 to i32
      %cond3A_178 = arith.constant 0 : i32
      %cond3A_179 = arith.cmpi ne, %convert_element_type3A_177, %cond3A_178 : i32
      scf.if %cond3A_179 {
        %sub3A = arith.constant 4 : i32
        %sub3A_265 = arith.subi %add3A_174, %sub3A : i32
        %mul3A_266 = arith.constant 128 : i32
        %mul3A_267 = arith.muli %sub3A_265, %mul3A_266 : i32
        %add3A_268 = arith.addi %mul3A_2, %mul3A_267 : i32
        %dma_wait3A_269 = arith.constant 2 : i32
        %dma_wait3A_270 = arith.constant 0 : i32
        %dma_wait3A_271 = arith.constant 0 : i32
        %dma_wait3A_272 = tpu.memref_slice %arg8[%dma_wait3A_269, %dma_wait3A_270, %dma_wait3A_271] : memref<4x128x128xf32, #tpu.memory_space<vmem>> -> memref<1x128x128xf32, #tpu.memory_space<vmem>>
        %dma_wait3A_273 = tpu.memref_squeeze %dma_wait3A_272 : memref<1x128x128xf32, #tpu.memory_space<vmem>> -> memref<128x128xf32, #tpu.memory_space<vmem>>
        %dma_wait3A_274 = arith.constant 0 : i32
        %dma_wait3A_275 = tpu.memref_slice %arg5[%add3A_268, %dma_wait3A_274] : memref<819200x128xf32, #tpu.memory_space<hbm>> -> memref<128x128xf32, #tpu.memory_space<hbm>>
        %dma_wait3A_276 = arith.constant 0 : i32
        %dma_wait3A_277 = tpu.memref_slice %arg5[%add3A_268, %dma_wait3A_276] : memref<819200x128xf32, #tpu.memory_space<hbm>> -> memref<128x128xf32, #tpu.memory_space<hbm>>
        %dma_wait3A_278 = arith.constant 0 : i32
        %dma_wait3A_279 = arith.constant 0 : i32
        %dma_wait3A_280 = tpu.memref_slice %arg8[%dma_wait3A_269, %dma_wait3A_278, %dma_wait3A_279] : memref<4x128x128xf32, #tpu.memory_space<vmem>> -> memref<1x128x128xf32, #tpu.memory_space<vmem>>
        %dma_wait3A_281 = tpu.memref_squeeze %dma_wait3A_280 : memref<1x128x128xf32, #tpu.memory_space<vmem>> -> memref<128x128xf32, #tpu.memory_space<vmem>>
        tpu.wait_dma2 semaphore(%arg16 : memref<!tpu.dma_semaphore, #tpu.memory_space<semaphore_mem>>) src(%dma_wait3A_281 : memref<128x128xf32, #tpu.memory_space<vmem>>) dst(%dma_wait3A_277 : memref<128x128xf32, #tpu.memory_space<hbm>>)
      } else {
      }
      %mul3A_180 = arith.constant 128 : i32
      %mul3A_181 = arith.muli %add3A_174, %mul3A_180 : i32
      %dma_start3A_182 = arith.constant 2 : i32
      %dma_start3A_183 = arith.constant 0 : i32
      %dma_start3A_184 = arith.constant 0 : i32
      %dma_start3A_185 = tpu.memref_slice %arg8[%dma_start3A_182, %dma_start3A_183, %dma_start3A_184] : memref<4x128x128xf32, #tpu.memory_space<vmem>> -> memref<1x128x128xf32, #tpu.memory_space<vmem>>
      %dma_start3A_186 = tpu.memref_squeeze %dma_start3A_185 : memref<1x128x128xf32, #tpu.memory_space<vmem>> -> memref<128x128xf32, #tpu.memory_space<vmem>>
      %dma_start3A_187 = tpu.memref_slice %arg6[%mul3A_181] : memref<25600xi32, #tpu.memory_space<vmem>> -> memref<128xi32, #tpu.memory_space<vmem>>
      %dma_start3A_188 = arith.constant 0 : i32
      %dma_start3A_189 = arith.constant 0 : i32
      %dma_start3A_190 = tpu.memref_slice %arg9[%dma_start3A_188, %dma_start3A_189] : memref<640x128xf32, #tpu.memory_space<vmem_shared>> -> memref<640x128xf32, #tpu.memory_space<vmem_shared>>
      tpu.enqueue_indirect_dma source(%dma_start3A_190 : memref<640x128xf32, #tpu.memory_space<vmem_shared>>) target(%dma_start3A_186 : memref<128x128xf32, #tpu.memory_space<vmem>>) offsets(%dma_start3A_187 : memref<128xi32, #tpu.memory_space<vmem>>) semaphore(%arg12 : memref<!tpu.dma_semaphore, #tpu.memory_space<semaphore_mem>>)
      %mul3A_191 = arith.constant 128 : i32
      %mul3A_192 = arith.muli %add3A_174, %mul3A_191 : i32
      %dma_wait3A_193 = arith.constant 2 : i32
      %dma_wait3A_194 = arith.constant 0 : i32
      %dma_wait3A_195 = arith.constant 0 : i32
      %dma_wait3A_196 = tpu.memref_slice %arg8[%dma_wait3A_193, %dma_wait3A_194, %dma_wait3A_195] : memref<4x128x128xf32, #tpu.memory_space<vmem>> -> memref<1x128x128xf32, #tpu.memory_space<vmem>>
      %dma_wait3A_197 = tpu.memref_squeeze %dma_wait3A_196 : memref<1x128x128xf32, #tpu.memory_space<vmem>> -> memref<128x128xf32, #tpu.memory_space<vmem>>
      %dma_wait3A_198 = tpu.memref_slice %arg6[%mul3A_192] : memref<25600xi32, #tpu.memory_space<vmem>> -> memref<128xi32, #tpu.memory_space<vmem>>
      %dma_wait3A_199 = arith.constant 0 : i32
      %dma_wait3A_200 = arith.constant 0 : i32
      %dma_wait3A_201 = tpu.memref_slice %arg9[%dma_wait3A_199, %dma_wait3A_200] : memref<640x128xf32, #tpu.memory_space<vmem_shared>> -> memref<640x128xf32, #tpu.memory_space<vmem_shared>>
      tpu.wait_indirect_dma semaphore(%arg12 : memref<!tpu.dma_semaphore, #tpu.memory_space<semaphore_mem>>) src(%dma_wait3A_201 : memref<640x128xf32, #tpu.memory_space<vmem_shared>>) dst(%dma_wait3A_197 : memref<128x128xf32, #tpu.memory_space<vmem>>)
      %mul3A_202 = arith.constant 128 : i32
      %mul3A_203 = arith.muli %add3A_174, %mul3A_202 : i32
      %add3A_204 = arith.addi %mul3A_2, %mul3A_203 : i32
      %dma_start3A_205 = arith.constant 2 : i32
      %dma_start3A_206 = arith.constant 0 : i32
      %dma_start3A_207 = arith.constant 0 : i32
      %dma_start3A_208 = tpu.memref_slice %arg8[%dma_start3A_205, %dma_start3A_206, %dma_start3A_207] : memref<4x128x128xf32, #tpu.memory_space<vmem>> -> memref<1x128x128xf32, #tpu.memory_space<vmem>>
      %dma_start3A_209 = tpu.memref_squeeze %dma_start3A_208 : memref<1x128x128xf32, #tpu.memory_space<vmem>> -> memref<128x128xf32, #tpu.memory_space<vmem>>
      %dma_start3A_210 = arith.constant 0 : i32
      %dma_start3A_211 = tpu.memref_slice %arg5[%add3A_204, %dma_start3A_210] : memref<819200x128xf32, #tpu.memory_space<hbm>> -> memref<128x128xf32, #tpu.memory_space<hbm>>
      %dma_start3A_212 = arith.constant 0 : i32
      %dma_start3A_213 = tpu.memref_slice %arg5[%add3A_204, %dma_start3A_212] : memref<819200x128xf32, #tpu.memory_space<hbm>> -> memref<128x128xf32, #tpu.memory_space<hbm>>
      %dma_start3A_214 = arith.constant 0 : i32
      %dma_start3A_215 = arith.constant 0 : i32
      %dma_start3A_216 = tpu.memref_slice %arg8[%dma_start3A_205, %dma_start3A_214, %dma_start3A_215] : memref<4x128x128xf32, #tpu.memory_space<vmem>> -> memref<1x128x128xf32, #tpu.memory_space<vmem>>
      %dma_start3A_217 = tpu.memref_squeeze %dma_start3A_216 : memref<1x128x128xf32, #tpu.memory_space<vmem>> -> memref<128x128xf32, #tpu.memory_space<vmem>>
      tpu.enqueue_dma source(%dma_start3A_217 : memref<128x128xf32, #tpu.memory_space<vmem>>) target(%dma_start3A_213 : memref<128x128xf32, #tpu.memory_space<hbm>>) target_semaphore(%arg16 : memref<!tpu.dma_semaphore, #tpu.memory_space<semaphore_mem>>)
      %mul3A_218 = arith.constant 4 : i32
      %mul3A_219 = arith.muli %add3A_80, %mul3A_218 : i32
      %add3A_220 = arith.constant 3 : i32
      %add3A_221 = arith.addi %mul3A_219, %add3A_220 : i32
      %gt3A_222 = arith.constant 0 : i32
      %gt3A_223 = arith.cmpi sgt, %add3A_80, %gt3A_222 : i32
      %convert_element_type3A_224 = arith.extui %gt3A_223 : i1 to i32
      %cond3A_225 = arith.constant 0 : i32
      %cond3A_226 = arith.cmpi ne, %convert_element_type3A_224, %cond3A_225 : i32
      scf.if %cond3A_226 {
        %sub3A = arith.constant 4 : i32
        %sub3A_265 = arith.subi %add3A_221, %sub3A : i32
        %mul3A_266 = arith.constant 128 : i32
        %mul3A_267 = arith.muli %sub3A_265, %mul3A_266 : i32
        %add3A_268 = arith.addi %mul3A_2, %mul3A_267 : i32
        %dma_wait3A_269 = arith.constant 3 : i32
        %dma_wait3A_270 = arith.constant 0 : i32
        %dma_wait3A_271 = arith.constant 0 : i32
        %dma_wait3A_272 = tpu.memref_slice %arg8[%dma_wait3A_269, %dma_wait3A_270, %dma_wait3A_271] : memref<4x128x128xf32, #tpu.memory_space<vmem>> -> memref<1x128x128xf32, #tpu.memory_space<vmem>>
        %dma_wait3A_273 = tpu.memref_squeeze %dma_wait3A_272 : memref<1x128x128xf32, #tpu.memory_space<vmem>> -> memref<128x128xf32, #tpu.memory_space<vmem>>
        %dma_wait3A_274 = arith.constant 0 : i32
        %dma_wait3A_275 = tpu.memref_slice %arg5[%add3A_268, %dma_wait3A_274] : memref<819200x128xf32, #tpu.memory_space<hbm>> -> memref<128x128xf32, #tpu.memory_space<hbm>>
        %dma_wait3A_276 = arith.constant 0 : i32
        %dma_wait3A_277 = tpu.memref_slice %arg5[%add3A_268, %dma_wait3A_276] : memref<819200x128xf32, #tpu.memory_space<hbm>> -> memref<128x128xf32, #tpu.memory_space<hbm>>
        %dma_wait3A_278 = arith.constant 0 : i32
        %dma_wait3A_279 = arith.constant 0 : i32
        %dma_wait3A_280 = tpu.memref_slice %arg8[%dma_wait3A_269, %dma_wait3A_278, %dma_wait3A_279] : memref<4x128x128xf32, #tpu.memory_space<vmem>> -> memref<1x128x128xf32, #tpu.memory_space<vmem>>
        %dma_wait3A_281 = tpu.memref_squeeze %dma_wait3A_280 : memref<1x128x128xf32, #tpu.memory_space<vmem>> -> memref<128x128xf32, #tpu.memory_space<vmem>>
        tpu.wait_dma2 semaphore(%arg17 : memref<!tpu.dma_semaphore, #tpu.memory_space<semaphore_mem>>) src(%dma_wait3A_281 : memref<128x128xf32, #tpu.memory_space<vmem>>) dst(%dma_wait3A_277 : memref<128x128xf32, #tpu.memory_space<hbm>>)
      } else {
      }
      %mul3A_227 = arith.constant 128 : i32
      %mul3A_228 = arith.muli %add3A_221, %mul3A_227 : i32
      %dma_start3A_229 = arith.constant 3 : i32
      %dma_start3A_230 = arith.constant 0 : i32
      %dma_start3A_231 = arith.constant 0 : i32
      %dma_start3A_232 = tpu.memref_slice %arg8[%dma_start3A_229, %dma_start3A_230, %dma_start3A_231] : memref<4x128x128xf32, #tpu.memory_space<vmem>> -> memref<1x128x128xf32, #tpu.memory_space<vmem>>
      %dma_start3A_233 = tpu.memref_squeeze %dma_start3A_232 : memref<1x128x128xf32, #tpu.memory_space<vmem>> -> memref<128x128xf32, #tpu.memory_space<vmem>>
      %dma_start3A_234 = tpu.memref_slice %arg6[%mul3A_228] : memref<25600xi32, #tpu.memory_space<vmem>> -> memref<128xi32, #tpu.memory_space<vmem>>
      %dma_start3A_235 = arith.constant 0 : i32
      %dma_start3A_236 = arith.constant 0 : i32
      %dma_start3A_237 = tpu.memref_slice %arg9[%dma_start3A_235, %dma_start3A_236] : memref<640x128xf32, #tpu.memory_space<vmem_shared>> -> memref<640x128xf32, #tpu.memory_space<vmem_shared>>
      tpu.enqueue_indirect_dma source(%dma_start3A_237 : memref<640x128xf32, #tpu.memory_space<vmem_shared>>) target(%dma_start3A_233 : memref<128x128xf32, #tpu.memory_space<vmem>>) offsets(%dma_start3A_234 : memref<128xi32, #tpu.memory_space<vmem>>) semaphore(%arg13 : memref<!tpu.dma_semaphore, #tpu.memory_space<semaphore_mem>>)
      %mul3A_238 = arith.constant 128 : i32
      %mul3A_239 = arith.muli %add3A_221, %mul3A_238 : i32
      %dma_wait3A_240 = arith.constant 3 : i32
      %dma_wait3A_241 = arith.constant 0 : i32
      %dma_wait3A_242 = arith.constant 0 : i32
      %dma_wait3A_243 = tpu.memref_slice %arg8[%dma_wait3A_240, %dma_wait3A_241, %dma_wait3A_242] : memref<4x128x128xf32, #tpu.memory_space<vmem>> -> memref<1x128x128xf32, #tpu.memory_space<vmem>>
      %dma_wait3A_244 = tpu.memref_squeeze %dma_wait3A_243 : memref<1x128x128xf32, #tpu.memory_space<vmem>> -> memref<128x128xf32, #tpu.memory_space<vmem>>
      %dma_wait3A_245 = tpu.memref_slice %arg6[%mul3A_239] : memref<25600xi32, #tpu.memory_space<vmem>> -> memref<128xi32, #tpu.memory_space<vmem>>
      %dma_wait3A_246 = arith.constant 0 : i32
      %dma_wait3A_247 = arith.constant 0 : i32
      %dma_wait3A_248 = tpu.memref_slice %arg9[%dma_wait3A_246, %dma_wait3A_247] : memref<640x128xf32, #tpu.memory_space<vmem_shared>> -> memref<640x128xf32, #tpu.memory_space<vmem_shared>>
      tpu.wait_indirect_dma semaphore(%arg13 : memref<!tpu.dma_semaphore, #tpu.memory_space<semaphore_mem>>) src(%dma_wait3A_248 : memref<640x128xf32, #tpu.memory_space<vmem_shared>>) dst(%dma_wait3A_244 : memref<128x128xf32, #tpu.memory_space<vmem>>)
      %mul3A_249 = arith.constant 128 : i32
      %mul3A_250 = arith.muli %add3A_221, %mul3A_249 : i32
      %add3A_251 = arith.addi %mul3A_2, %mul3A_250 : i32
      %dma_start3A_252 = arith.constant 3 : i32
      %dma_start3A_253 = arith.constant 0 : i32
      %dma_start3A_254 = arith.constant 0 : i32
      %dma_start3A_255 = tpu.memref_slice %arg8[%dma_start3A_252, %dma_start3A_253, %dma_start3A_254] : memref<4x128x128xf32, #tpu.memory_space<vmem>> -> memref<1x128x128xf32, #tpu.memory_space<vmem>>
      %dma_start3A_256 = tpu.memref_squeeze %dma_start3A_255 : memref<1x128x128xf32, #tpu.memory_space<vmem>> -> memref<128x128xf32, #tpu.memory_space<vmem>>
      %dma_start3A_257 = arith.constant 0 : i32
      %dma_start3A_258 = tpu.memref_slice %arg5[%add3A_251, %dma_start3A_257] : memref<819200x128xf32, #tpu.memory_space<hbm>> -> memref<128x128xf32, #tpu.memory_space<hbm>>
      %dma_start3A_259 = arith.constant 0 : i32
      %dma_start3A_260 = tpu.memref_slice %arg5[%add3A_251, %dma_start3A_259] : memref<819200x128xf32, #tpu.memory_space<hbm>> -> memref<128x128xf32, #tpu.memory_space<hbm>>
      %dma_start3A_261 = arith.constant 0 : i32
      %dma_start3A_262 = arith.constant 0 : i32
      %dma_start3A_263 = tpu.memref_slice %arg8[%dma_start3A_252, %dma_start3A_261, %dma_start3A_262] : memref<4x128x128xf32, #tpu.memory_space<vmem>> -> memref<1x128x128xf32, #tpu.memory_space<vmem>>
      %dma_start3A_264 = tpu.memref_squeeze %dma_start3A_263 : memref<1x128x128xf32, #tpu.memory_space<vmem>> -> memref<128x128xf32, #tpu.memory_space<vmem>>
      tpu.enqueue_dma source(%dma_start3A_264 : memref<128x128xf32, #tpu.memory_space<vmem>>) target(%dma_start3A_260 : memref<128x128xf32, #tpu.memory_space<hbm>>) target_semaphore(%arg17 : memref<!tpu.dma_semaphore, #tpu.memory_space<semaphore_mem>>)
    }
    %scan3A_16 = arith.constant 50 : i32
    %add3A_17 = arith.constant 25088 : i32
    %add3A_18 = arith.addi %mul3A_2, %add3A_17 : i32
    %dma_wait3A = arith.constant 0 : i32
    %dma_wait3A_19 = arith.constant 0 : i32
    %dma_wait3A_20 = arith.constant 0 : i32
    %dma_wait3A_21 = tpu.memref_slice %arg8[%dma_wait3A, %dma_wait3A_19, %dma_wait3A_20] : memref<4x128x128xf32, #tpu.memory_space<vmem>> -> memref<1x128x128xf32, #tpu.memory_space<vmem>>
    %dma_wait3A_22 = tpu.memref_squeeze %dma_wait3A_21 : memref<1x128x128xf32, #tpu.memory_space<vmem>> -> memref<128x128xf32, #tpu.memory_space<vmem>>
    %dma_wait3A_23 = arith.constant 0 : i32
    %dma_wait3A_24 = tpu.memref_slice %arg5[%add3A_18, %dma_wait3A_23] : memref<819200x128xf32, #tpu.memory_space<hbm>> -> memref<128x128xf32, #tpu.memory_space<hbm>>
    %dma_wait3A_25 = arith.constant 0 : i32
    %dma_wait3A_26 = tpu.memref_slice %arg5[%add3A_18, %dma_wait3A_25] : memref<819200x128xf32, #tpu.memory_space<hbm>> -> memref<128x128xf32, #tpu.memory_space<hbm>>
    %dma_wait3A_27 = arith.constant 0 : i32
    %dma_wait3A_28 = arith.constant 0 : i32
    %dma_wait3A_29 = tpu.memref_slice %arg8[%dma_wait3A, %dma_wait3A_27, %dma_wait3A_28] : memref<4x128x128xf32, #tpu.memory_space<vmem>> -> memref<1x128x128xf32, #tpu.memory_space<vmem>>
    %dma_wait3A_30 = tpu.memref_squeeze %dma_wait3A_29 : memref<1x128x128xf32, #tpu.memory_space<vmem>> -> memref<128x128xf32, #tpu.memory_space<vmem>>
    tpu.wait_dma2 semaphore(%arg14 : memref<!tpu.dma_semaphore, #tpu.memory_space<semaphore_mem>>) src(%dma_wait3A_30 : memref<128x128xf32, #tpu.memory_space<vmem>>) dst(%dma_wait3A_26 : memref<128x128xf32, #tpu.memory_space<hbm>>)
    %add3A_31 = arith.constant 25216 : i32
    %add3A_32 = arith.addi %mul3A_2, %add3A_31 : i32
    %dma_wait3A_33 = arith.constant 1 : i32
    %dma_wait3A_34 = arith.constant 0 : i32
    %dma_wait3A_35 = arith.constant 0 : i32
    %dma_wait3A_36 = tpu.memref_slice %arg8[%dma_wait3A_33, %dma_wait3A_34, %dma_wait3A_35] : memref<4x128x128xf32, #tpu.memory_space<vmem>> -> memref<1x128x128xf32, #tpu.memory_space<vmem>>
    %dma_wait3A_37 = tpu.memref_squeeze %dma_wait3A_36 : memref<1x128x128xf32, #tpu.memory_space<vmem>> -> memref<128x128xf32, #tpu.memory_space<vmem>>
    %dma_wait3A_38 = arith.constant 0 : i32
    %dma_wait3A_39 = tpu.memref_slice %arg5[%add3A_32, %dma_wait3A_38] : memref<819200x128xf32, #tpu.memory_space<hbm>> -> memref<128x128xf32, #tpu.memory_space<hbm>>
    %dma_wait3A_40 = arith.constant 0 : i32
    %dma_wait3A_41 = tpu.memref_slice %arg5[%add3A_32, %dma_wait3A_40] : memref<819200x128xf32, #tpu.memory_space<hbm>> -> memref<128x128xf32, #tpu.memory_space<hbm>>
    %dma_wait3A_42 = arith.constant 0 : i32
    %dma_wait3A_43 = arith.constant 0 : i32
    %dma_wait3A_44 = tpu.memref_slice %arg8[%dma_wait3A_33, %dma_wait3A_42, %dma_wait3A_43] : memref<4x128x128xf32, #tpu.memory_space<vmem>> -> memref<1x128x128xf32, #tpu.memory_space<vmem>>
    %dma_wait3A_45 = tpu.memref_squeeze %dma_wait3A_44 : memref<1x128x128xf32, #tpu.memory_space<vmem>> -> memref<128x128xf32, #tpu.memory_space<vmem>>
    tpu.wait_dma2 semaphore(%arg15 : memref<!tpu.dma_semaphore, #tpu.memory_space<semaphore_mem>>) src(%dma_wait3A_45 : memref<128x128xf32, #tpu.memory_space<vmem>>) dst(%dma_wait3A_41 : memref<128x128xf32, #tpu.memory_space<hbm>>)
    %add3A_46 = arith.constant 25344 : i32
    %add3A_47 = arith.addi %mul3A_2, %add3A_46 : i32
    %dma_wait3A_48 = arith.constant 2 : i32
    %dma_wait3A_49 = arith.constant 0 : i32
    %dma_wait3A_50 = arith.constant 0 : i32
    %dma_wait3A_51 = tpu.memref_slice %arg8[%dma_wait3A_48, %dma_wait3A_49, %dma_wait3A_50] : memref<4x128x128xf32, #tpu.memory_space<vmem>> -> memref<1x128x128xf32, #tpu.memory_space<vmem>>
    %dma_wait3A_52 = tpu.memref_squeeze %dma_wait3A_51 : memref<1x128x128xf32, #tpu.memory_space<vmem>> -> memref<128x128xf32, #tpu.memory_space<vmem>>
    %dma_wait3A_53 = arith.constant 0 : i32
    %dma_wait3A_54 = tpu.memref_slice %arg5[%add3A_47, %dma_wait3A_53] : memref<819200x128xf32, #tpu.memory_space<hbm>> -> memref<128x128xf32, #tpu.memory_space<hbm>>
    %dma_wait3A_55 = arith.constant 0 : i32
    %dma_wait3A_56 = tpu.memref_slice %arg5[%add3A_47, %dma_wait3A_55] : memref<819200x128xf32, #tpu.memory_space<hbm>> -> memref<128x128xf32, #tpu.memory_space<hbm>>
    %dma_wait3A_57 = arith.constant 0 : i32
    %dma_wait3A_58 = arith.constant 0 : i32
    %dma_wait3A_59 = tpu.memref_slice %arg8[%dma_wait3A_48, %dma_wait3A_57, %dma_wait3A_58] : memref<4x128x128xf32, #tpu.memory_space<vmem>> -> memref<1x128x128xf32, #tpu.memory_space<vmem>>
    %dma_wait3A_60 = tpu.memref_squeeze %dma_wait3A_59 : memref<1x128x128xf32, #tpu.memory_space<vmem>> -> memref<128x128xf32, #tpu.memory_space<vmem>>
    tpu.wait_dma2 semaphore(%arg16 : memref<!tpu.dma_semaphore, #tpu.memory_space<semaphore_mem>>) src(%dma_wait3A_60 : memref<128x128xf32, #tpu.memory_space<vmem>>) dst(%dma_wait3A_56 : memref<128x128xf32, #tpu.memory_space<hbm>>)
    %add3A_61 = arith.constant 25472 : i32
    %add3A_62 = arith.addi %mul3A_2, %add3A_61 : i32
    %dma_wait3A_63 = arith.constant 3 : i32
    %dma_wait3A_64 = arith.constant 0 : i32
    %dma_wait3A_65 = arith.constant 0 : i32
    %dma_wait3A_66 = tpu.memref_slice %arg8[%dma_wait3A_63, %dma_wait3A_64, %dma_wait3A_65] : memref<4x128x128xf32, #tpu.memory_space<vmem>> -> memref<1x128x128xf32, #tpu.memory_space<vmem>>
    %dma_wait3A_67 = tpu.memref_squeeze %dma_wait3A_66 : memref<1x128x128xf32, #tpu.memory_space<vmem>> -> memref<128x128xf32, #tpu.memory_space<vmem>>
    %dma_wait3A_68 = arith.constant 0 : i32
    %dma_wait3A_69 = tpu.memref_slice %arg5[%add3A_62, %dma_wait3A_68] : memref<819200x128xf32, #tpu.memory_space<hbm>> -> memref<128x128xf32, #tpu.memory_space<hbm>>
    %dma_wait3A_70 = arith.constant 0 : i32
    %dma_wait3A_71 = tpu.memref_slice %arg5[%add3A_62, %dma_wait3A_70] : memref<819200x128xf32, #tpu.memory_space<hbm>> -> memref<128x128xf32, #tpu.memory_space<hbm>>
    %dma_wait3A_72 = arith.constant 0 : i32
    %dma_wait3A_73 = arith.constant 0 : i32
    %dma_wait3A_74 = tpu.memref_slice %arg8[%dma_wait3A_63, %dma_wait3A_72, %dma_wait3A_73] : memref<4x128x128xf32, #tpu.memory_space<vmem>> -> memref<1x128x128xf32, #tpu.memory_space<vmem>>
    %dma_wait3A_75 = tpu.memref_squeeze %dma_wait3A_74 : memref<1x128x128xf32, #tpu.memory_space<vmem>> -> memref<128x128xf32, #tpu.memory_space<vmem>>
    tpu.wait_dma2 semaphore(%arg17 : memref<!tpu.dma_semaphore, #tpu.memory_space<semaphore_mem>>) src(%dma_wait3A_75 : memref<128x128xf32, #tpu.memory_space<vmem>>) dst(%dma_wait3A_71 : memref<128x128xf32, #tpu.memory_space<hbm>>)
    return
  }
}

module attributes {stable_mosaic.version = 14 : i64} {
  func.func @_table_body(%arg0: memref<32x128xf32, #tpu.memory_space<vmem>>, %arg1: memref<9x128xf32, #tpu.memory_space<vmem>>, %arg2: memref<40x128xf32, #tpu.memory_space<vmem>>) attributes {dimension_semantics = [], scalar_prefetch = 0 : i64, scratch_operands = 0 : i64, tpu.core_type = #tpu.core_type<tc>} {
    %get3A = arith.constant 0 : index
    %get3A_0 = arith.constant 0 : index
    %get3A_1 = vector.load %arg0[%get3A, %get3A_0] : memref<32x128xf32, #tpu.memory_space<vmem>>, vector<32x128xf32>
    %swap3A = arith.constant 0 : index
    %swap3A_2 = arith.constant 0 : index
    %swap3A_3 = vector.load %arg2[%swap3A, %swap3A_2] : memref<40x128xf32, #tpu.memory_space<vmem>>, vector<32x128xf32>
    tpu.vector_store %arg2[%swap3A, %swap3A_2], %get3A_1 {strides = array<i32>} : memref<40x128xf32, #tpu.memory_space<vmem>>, vector<32x128xf32>,
    %get3A_4 = arith.constant 0 : index
    %get3A_5 = arith.constant 0 : index
    %get3A_6 = vector.load %arg1[%get3A_4, %get3A_5] : memref<9x128xf32, #tpu.memory_space<vmem>>, vector<9x128xf32>
    %reduce_sum3A = arith.constant dense<0.000000e+00> : vector<128xf32>
    %reduce_sum3A_7 = vector.multi_reduction <add>, %get3A_6, %reduce_sum3A [0] : vector<9x128xf32> to vector<128xf32>
    %broadcast_in_dim3A = vector.shape_cast %reduce_sum3A_7 : vector<128xf32> to vector<1x128xf32>
    %broadcast_in_dim3A_8 = vector.shape_cast %broadcast_in_dim3A : vector<1x128xf32> to vector<1x128xf32>
    %broadcast_in_dim3A_9 = vector.broadcast %broadcast_in_dim3A_8 : vector<1x128xf32> to vector<8x128xf32>
    %swap3A_10 = arith.constant 32 : index
    %swap3A_11 = arith.constant 0 : index
    %swap3A_12 = vector.load %arg2[%swap3A_10, %swap3A_11] : memref<40x128xf32, #tpu.memory_space<vmem>>, vector<8x128xf32>
    tpu.vector_store %arg2[%swap3A_10, %swap3A_11], %broadcast_in_dim3A_9 {strides = array<i32>} : memref<40x128xf32, #tpu.memory_space<vmem>>, vector<8x128xf32>,
    return
  }
}

</mosaic_0001>

<sc_bundles>
// kernel: kernel.4.cloned.1.call-start
scs
__scs_entry_jumppad:
0x0: {  	(pc) =	sbr.rel $0x88, $3  }
0x1: {  	(tag) =	ssettag $0x0;
	lr =	simm.s32 $0x1  }
0x2: {  	[smem:$0x3F9D] =	sst lr;
	_ =	strace $0xD0000000  }
0x3: {  	_ = 	snop  }
0x4: {  	_ = 	snop  }
0x5: {  	_ = 	snop  }
0x6: {  	_ = 	snop  }
0x7: {  	_ = 	snop  }
__scs_overlays_trampoline_lowered:
0x8: {  	[smem:$0x3FAC] =	sst s0  }
0x9: {  	[smem:$0x3FAD] =	sst s1  }
0xa: {  	[smem:$0x3FAE] =	sst s2  }
0xb: {  	[smem:$0x3FAF] =	sst s3  }
0xc: {  	[smem:$0x3FB0] =	sst s4  }
0xd: {  	[smem:$0x3FB1] =	sst s5  }
0xe: {  	[smem:$0x3FB2] =	sst s6  }
0xf: {  	[smem:$0x3FB3] =	sst s7  }
0x10: {  	[smem:$0x3FB4] =	sst s8  }
0x11: {  	[smem:$0x3FB5] =	sst s9;
	s0 =	simm.s32 @!p0 $0x0  }
0x12: {  	s1 =	sld [smem:$0x3F9B];
	s0 =	simm.s32 @p0 $0x1  }
0x13: {  	[smem:$0x3FB6] =	sst s0;
	s0 =	simm.s32 @!p1 $0x0  }
0x14: {  	s2 =	sld [smem:$0x3F9A];
	s0 =	simm.s32 @p1 $0x1  }
0x15: {  	[smem:$0x3FB7] =	sst s0;
	s0 =	simm.s32 @!p2 $0x0  }
0x16: {  	s3 =	sld [smem:$0x3FDB];
	s0 =	simm.s32 @p2 $0x1  }
0x17: {  	s4 =	simm.s32 $0x1BF5;
	[smem:$0x3FB9] =	sst s0  }
0x18: {  	s0 =	sld [smem:$0x3F9C];
	_ =	swait.ge [sflag:s4], $0x0  }
0x19: {  	s7 =	sld [smem:$0x3F9D]  }
0x1a: {  	s8 =	sadd.s32 $0xFFFFE003, lr  }
0x1b: {  	s9 =	sadd.s32 $0xFFFFFEF7, lr;
	s5 =	simm.s32 $0xFFFFFFFF;
	p2 =	slt.u32 s8, $0xFFFFF086  }
0x1c: {  	p1 =	slt.u32 s9, $0xF7A;
	s5 =	simm.s32 @!p2 $0x0  }
0x1d: {  	s5 =	simm.s32 @p1 $0x1;
	p0 =	seq.s32 s7, s2  }
0x1e: {  	s7 =	smul.u32 @!p0 $0xF7A, s2;
	p2 =	seq.s32 @!p0 s5, $0x0  }
0x1f: {  	s9 =	smul.u32 $0xF7A, s1;
	s8 =	simm.s32 @!p0 $0x1BF5;
	p2 =	por !p2, p0  }
0x20: {  	[sflag:s8] =	ssyncset.s32 @!p0 $0xFFFFF086;
	s6 =	sadd.s32 @!p0 s3, s7;
	s7 =	simm.s32 @!p0 $0x108  }
0x21: {  	s3 =	sadd.s32 s3, s9;
	s6 =	sadd.s32 @!p0 $0x88, s6;
	s7 =	simm.s32 @p2 $0x1082  }
0x22: {  	[simem:s7], [sflag:s8] =	dma.local @!p0 [hbm:s6], $0xF7A  }
0x23: {  	s9 =	sor.u32 $0xD0000000, s2;
	s6 =	simm.s32 $0x108;
	_ =	swait.ge @!p0 [sflag:s8], $0x0  }
0x24: {  	s3 =	sadd.s32 $0x88, s3;
	s6 =	simm.s32 @!p1 $0x1082;
	[sflag:s4] =	ssyncset.s32 $0xFFFFF086  }
0x25: {  	[simem:s6], [sflag:s4] =	dma.local [hbm:s3], $0xF7A  }
0x26: {  	[smem:$0x3F9D] =	sst s1;
	(tag) =	ssettag s2;
	_ =	strace s9  }
0x27: {  	s1 =	sld [smem:$0x3FAD]  }
0x28: {  	s2 =	sld [smem:$0x3FAE]  }
0x29: {  	s4 =	sld [smem:$0x3FB0]  }
0x2a: {  	p0 =	seq.s32 s5, $0x0;
	s5 =	sld [smem:$0x3FB1]  }
0x2b: {  	s6 =	sld [smem:$0x3FB2]  }
0x2c: {  	s7 =	sld [smem:$0x3FB3]  }
0x2d: {  	s3 =	simm.s32 $0x108;
	s8 =	sld [smem:$0x3FB4]  }
0x2e: {  	s3 =	simm.s32 @!p0 $0x1082;
	s9 =	sld [smem:$0x3FB5]  }
0x2f: {  	lr =	sadd.s32 s0, s3;
	s0 =	sld [smem:$0x3FAC]  }
0x30: {  	s3 =	sld [smem:$0x3FAF]  }
0x31: {  	[smem:$0x3FB8] =	sst s10  }
0x32: {  	s10 =	sld [smem:$0x3FB6];
	_ =	sdelay $0x3  }
0x33: {  	p0 =	seq.s32 s10, $0x1;
	s10 =	sld [smem:$0x3FB8];
	_ =	sdelay $0x3  }
0x34: {  	[smem:$0x3FB8] =	sst s10  }
0x35: {  	s10 =	sld [smem:$0x3FB7];
	_ =	sdelay $0x3  }
0x36: {  	p1 =	seq.s32 s10, $0x1;
	s10 =	sld [smem:$0x3FB8];
	_ =	sdelay $0x3  }
0x37: {  	[smem:$0x3FB8] =	sst s10  }
0x38: {  	s10 =	sld [smem:$0x3FB9]  }
0x39: {  	_ = 	snop;
	(pc) =	sbr.ind lr, $3  }
0x3a: {  	_ = 	snop  }
0x3b: {  	_ = 	snop  }
0x3c: {  	p2 =	seq.s32 s10, $0x1;
	s10 =	sld [smem:$0x3FB8]  }
0x3d: {  	_ =	shalt  }
0x3e: {  	_ =	shalt  }
0x3f: {  	_ =	shalt  }
0x40: {  	_ =	shalt  }
0x41: {  	_ =	shalt  }
0x42: {  	_ =	shalt  }
0x43: {  	_ =	shalt  }
0x44: {  	_ =	shalt  }
0x45: {  	_ =	shalt  }
0x46: {  	_ =	shalt  }
0x47: {  	_ =	shalt  }
0x48: {  	_ =	shalt  }
0x49: {  	_ =	shalt  }
0x4a: {  	_ =	shalt  }
0x4b: {  	_ =	shalt  }
0x4c: {  	_ =	shalt  }
0x4d: {  	_ =	shalt  }
0x4e: {  	_ =	shalt  }
0x4f: {  	_ =	shalt  }
0x50: {  	_ =	shalt  }
0x51: {  	_ =	shalt  }
0x52: {  	_ =	shalt  }
0x53: {  	_ =	shalt  }
0x54: {  	_ =	shalt  }
0x55: {  	_ =	shalt  }
0x56: {  	_ =	shalt  }
0x57: {  	_ =	shalt  }
0x58: {  	_ =	shalt  }
0x59: {  	_ =	shalt  }
0x5a: {  	_ =	shalt  }
0x5b: {  	_ =	shalt  }
0x5c: {  	_ =	shalt  }
0x5d: {  	_ =	shalt  }
0x5e: {  	_ =	shalt  }
0x5f: {  	_ =	shalt  }
0x60: {  	_ =	shalt  }
0x61: {  	_ =	shalt  }
0x62: {  	_ =	shalt  }
0x63: {  	_ =	shalt  }
0x64: {  	_ =	shalt  }
0x65: {  	_ =	shalt  }
0x66: {  	_ =	shalt  }
0x67: {  	_ =	shalt  }
0x68: {  	_ =	shalt  }
0x69: {  	_ =	shalt  }
0x6a: {  	_ =	shalt  }
0x6b: {  	_ =	shalt  }
0x6c: {  	_ =	shalt  }
0x6d: {  	_ =	shalt  }
0x6e: {  	_ =	shalt  }
0x6f: {  	_ =	shalt  }
0x70: {  	_ =	shalt  }
0x71: {  	_ =	shalt  }
0x72: {  	_ =	shalt  }
0x73: {  	_ =	shalt  }
0x74: {  	_ =	shalt  }
0x75: {  	_ =	shalt  }
0x76: {  	_ =	shalt  }
0x77: {  	_ =	shalt  }
0x78: {  	_ =	shalt  }
0x79: {  	_ =	shalt  }
0x7a: {  	_ =	shalt  }
0x7b: {  	_ =	shalt  }
0x7c: {  	_ =	shalt  }
0x7d: {  	_ =	shalt  }
0x7e: {  	_ =	shalt  }
0x7f: {  	_ =	shalt  }
0x80: {  	_ =	shalt  }
0x81: {  	_ =	shalt  }
0x82: {  	_ =	shalt  }
0x83: {  	_ =	shalt  }
0x84: {  	_ =	shalt  }
0x85: {  	_ =	shalt  }
0x86: {  	_ =	shalt  }
0x87: {  	_ =	shalt  }
.Lfunc_end0:
.L_simem_size_0:
called_computation_lowered:
.L_overlay_start_0:
0x88: {  	s2 =	sld [smem:$0x3FD9]  }
0x89: {  	s3 =	sld [smem:$0x3FFE];
	_ =	sdelay $0x1  }
0x8a: {  	s1 =	srdreg.scid  }
0x8b: {  	s0 =	sand.u32 $0x1, s1  }
0x8c: {  	s17 =	sshll.u32 s0, $0xA;
	s2 =	sadd.s32 s3, s2  }
0x8d: {  	s2 =	sadd.s32 s2, s17  }
0x8e: {  	[smem:$0x3FC4] =	sst s2  }
0x8f: {  	_ = 	snop  }
0x90: {  	s2 =	sld [smem:$0x3FD0];
	(tm) =	ssettm $0x1  }
0x91: {  	s18 =	sld [smem:$0x3FFB];
	_ =	sdelay $0x3  }
0x92: {  	_ =	strace s18  }
0x93: {  	s3 =	sld [smem:$0x3FFC];
	_ =	sdelay $0x3  }
0x94: {  	_ =	strace s3  }
0x95: {  	s3 =	sld [smem:$0x3FFD];
	_ =	sdelay $0x3  }
0x96: {  	_ =	strace s3  }
0x97: {  	_ =	strace $0x8FFFFFFF  }
0x98: {  	s19 =	sld [smem:$0x3FDB];
	_ =	sdelay $0x1  }
0x99: {  	s4 =	simm.s32 $_scs_section_size  }
0x9a: {  	s5 =	simm.s32 $_size__tile_overlayer_lowered;
	s6 =	simm.s32 $_tile_overlayer_lowered  }
0x9b: {  	s22 =	simm.s32 $0x1BFF;
	s21 =	sshll.u32 s6, $0x1;
	s3 =	sadd.s32 s4, s19  }
0x9c: {  	s7 =	simm.s32 $0x0;
	s20 =	sshll.u32 s5, $0x1;
	s5 =	sadd.s32 s21, s3  }
0x9d: {  	[timem:s7], [sflag:s22] =	dma.local [hbm:s5], s20  }
0x9e: {  	_ =	swait.ge [sflag:s22], s20  }
0x9f: {  	s4 =	ssub.s32 $0x0, s20;
	[sflag:s22] =	ssyncset.done $0x0  }
0xa0: {  	[sflag:s22] =	ssyncadd.s32 s4;
	_ =	sdelay $0x1  }
0xa1: {  	s23 =	simm.s32 $0x1B8B  }
0xa2: {  	_ =	swait.ge [sflag:s23], $0x1  }
0xa3: {  	[sflag:s23] =	ssyncset.done $0x0  }
0xa4: {  	s25 =	simm.s32 $0x1B8E;
	s24 =	sld [smem:$0x3FFE];
	[sflag:s23] =	ssyncadd.s32 $0xFFFFFFFF  }
0xa5: {  	s26 =	simm.s32 $execute0_lowered;
	[smem:$0x3FD2] =	sst s25  }
0xa6: {  	s5 =	sshll.u32 s26, $0x1;
	_ =	strace $0x80000046;
	[dreg:$0x1] =	wrdreg $0xFFFFFFFF  }
0xa7: {  	s28 =	simm.s32 $_size_execute0_lowered;
	s3 =	sadd.s32 s3, s5;
	[dreg:$0x0] =	wrdreg $0x0  }
0xa8: {  	s5 =	sshll.u32 s28, $0x1;
	[dreg:$0x2] =	wrdreg s3  }
0xa9: {  	[dreg:$0x3] =	wrdreg s5  }
0xaa: {  	[dreg:$0x4] =	wrdreg $0xC0  }
0xab: {  	_ =	task [dreg:s7], $0x5FFFF  }
0xac: {  	[dreg:$0x1] =	wrdreg $0xFFFFFFFF  }
0xad: {  	[dreg:$0x0] =	wrdreg $0x60  }
0xae: {  	[dreg:$0x2] =	wrdreg s24  }
0xaf: {  	[dreg:$0x3] =	wrdreg s2  }
0xb0: {  	[dreg:$0x4] =	wrdreg $0x1C8000  }
0xb1: {  	[dreg:$0x5] =	wrdreg $0x9  }
0xb2: {  	_ =	task.clear_ibuf [dreg:s7], $0x6FFFF;
	_ =	strace $0x90000046  }
0xb3: {  	s29 =	simm.s32 $0x9;
	_ =	strace $0x80000048  }
0xb4: {  	_ =	swait.ge [sflag:s29], $0x1  }
0xb5: {  	[sflag:s29] =	ssyncadd.s32 $0xFFFFFFFF  }
0xb6: {  	_ =	strace $0x90000048  }
0xb7: {  	_ =	sfence  }
0xb8: {  	s30 =	sld [smem:$0x0];
	_ =	sdelay $0x2  }
0xb9: {  	s31 =	sshll.u32 s1, $0xD;
	s1 =	sshrl.u32 s1, $0x2  }
0xba: {  	s3 =	sand.u32 $0x4000, s31;
	s1 =	sadd.s32 s1, s30  }
0xbb: {  	s0 =	sor.u32 s3, s0;
	s1 =	sshll.u32 s1, $0x11  }
0xbc: {  	s0 =	sor.u32 s1, s0  }
0xbd: {  	s0 =	sadd.s32 $0x8F2B, s0  }
0xbe: {  	[sflag:s0] =	ssyncadd.remote.s32 $0x1  }
0xbf: {  	_ =	sfence.sel $0xFFFF  }
0xc0: {  	[dreg:$0x0] =	wrdreg $0xFFFFFFFF;
	(pc) =	sbr.abs _section_cstart, $3  }
0xc1: {  	[dreg:$0x1] =	wrdreg $0xFFFFFFFF  }
0xc2: {  	_ =	task.clear_ibuf [dreg:s7], $0x2FFFF;
	_ =	strace $0x9FFFFFFF  }
0xc3: {  	(tm) =	ssettm $0x7FFFFFFF  }
tec
execute0_lowered:
.L_overlay_start_1:
0x0: {  	(tag) =	ssettag $0x1  }
0x1: {  	s1 =	rddreg [dreg:$0x0]  }
0x2: {  	s2 =	srdreg.scid;
	s0 =	stileid.u32  }
0x3: {  	s7 =	rddreg [dreg:$0x1];
	s13 =	simm.s32 $0x80;
	s14 =	simm.s32 $0xC800  }
0x4: {  	s15 =	simm.s32 $0x1;
	s16 =	simm.s32 $0x10800;
	s17 =	simm.s32 $0x2  }
0x5: {  	s18 =	simm.s32 $0x14800;
	s19 =	simm.s32 $0x3;
	s20 =	simm.s32 $0x18800  }
0x6: {  	s21 =	simm.s32 $0x4;
	s22 =	simm.s32 $0x5;
	s23 =	simm.s32 $0x6  }
0x7: {  	s25 =	simm.s32 $0x8;
	s5 =	sand.u32 $0x1, s2;
	s9 =	smul.u32 $0x5000, s0  }
0x8: {  	s3 =	sshll.u32 s0, $0x1;
	s2 =	rddreg [dreg:$0x2];
	s24 =	smul.u32 $0x28, s0  }
0x9: {  	s29 =	smul.u32 $0xC8000, s0;
	s30 =	sshll.u32 s0, $0x6;
	s4 =	sor.u32 s5, s3  }
0xa: {  	s3 =	simm.s32 $0x0;
	s6 =	ssub.s32 $0x2, s5;
	s11 =	smul.u32 $0x64000, s5  }
0xb: {  	s5 =	sor.u32 $0x1C09, s30;
	s4 =	smul.u32 $0x6400, s4;
	[smem:$0x7FF] =	sst s3  }
0xc: {  	s26 =	sshrl.u32 s6, $0x1;
	s28 =	sshrl.u32 s9, $0x2;
	s9 =	sadd.s32 s29, s7  }
0xd: {  	v0 =	vmov s24;
	s24 =	simm.s32 $0x7;
	_ =	strace $0x80000047;
	s10 =	sadd.s32 s28, s2  }
0xe: {  	s31 =	sadd.s32 s11, s9;
	s11 =	simm.s32 $0x9;
	s4 =	sshrl.u32 s4, $0x3  }
0xf: {  	s9 =	sadd.s32 $0x1000, s31;
	s10 =	sshrl.u32 s10, $0x3;
	s8 =	sadd.s32 s4, s1  }
0x10: {  	s4 =	sadd.s32 $0x32C00, s1;
	s1 =	ssub.s32 s6, s26;
	s26 =	simm.s32 $0x0  }
0x11: {  	s6 =	sadd.s32 $0xC00, s8;
	s7 =	sadd.s32 $0x19C00, s8;
	s8 =	smax.u32 s1, $0x1  }
.LBB2_1:
0x12: {  	[spmem:s10], [sflag:s5] =	dma.local [hbm:s4], $0x280  }
0x13: {  	_ =	swait.ge [sflag:s11], $0x280  }
0x14: {  	[sflag:s11] =	ssyncset.done $0x0  }
0x15: {  	[sflag:s11] =	ssyncadd.s32 $0xFFFFFD80  }
0x16: {  	[tilespmem:s3], [sflag:$0x9] =	stream.linear.gather [hbm4b:s6+s3], $0x6400, $0x38;
	[tilespmem:$0x1DC00] =	vst v63  }
0x17: {  	_ =	swait.ge [sflag:s11], $0x6400  }
0x18: {  	[sflag:s11] =	ssyncset.done $0x0  }
0x19: {  	s0 =	simm.s32 $0x6400;
	[sflag:s11] =	ssyncadd.s32 $0xFFFF9C00  }
0x1a: {  	[tilespmem:s0], [sflag:$0x9] =	stream.linear.gather [hbm4b:s7+s3], $0x6400, $0x38;
	[tilespmem:$0x1DC00] =	vst v63  }
0x1b: {  	_ =	swait.ge [sflag:s11], $0x6400  }
0x1c: {  	[sflag:s11] =	ssyncset.done $0x0  }
0x1d: {  	s28 =	simm.s32 $0x0;
	[sflag:s11] =	ssyncadd.s32 $0xFFFF9C00  }
0x1e: {  	v1 =	vld [tilespmem:s28+$0x6400]  }
0x1f: {  	v2 =	vld [tilespmem:s28+$0x0];
	_ =	sdelay $0x3  }
0x20: {  	vm0 =	veq.s32 v1, $0x0  }
0x21: {  	v1 =	vnsel vm0, $0x20, v2  }
0x22: {  	s30 =	simm.s32 $0x10;
	s29 =	simm.s32 $0x80;
	v1 =	vadd.s32 v0, v1  }
.LBB2_2:
0x23: {  	p0 =	sne.s32 s29, $0x18FC0;
	v2 =	vld [tilespmem:s30+$0x6400];
	[tilespmem:s28+$0x0] =	vst v1;
	s28 =	smov.u32 s30  }
0x24: {  	v1 =	vld [tilespmem:s28+$0x0];
	_ =	sdelay $0x1  }
.Ltmp0:
0x25: {  	(pc) =	sbr.rel @p0 .LBB2_2-.Ltmp0, $4  }
0x26: {  	_ = 	snop  }
0x27: {  	vm0 =	veq.s32 v2, $0x0  }
0x28: {  	v1 =	vnsel vm0, $0x20, v1  }
0x29: {  	s30 =	sshra.s32 s29, $0x2;
	s29 =	sadd.s32 $0x40, s29;
	v1 =	vadd.s32 v0, v1  }
0x2a: {  	v2 =	vld [tilespmem:s30+$0x6400];
	[tilespmem:s28+$0x0] =	vst v1  }
0x2b: {  	v1 =	vld [tilespmem:s30+$0x0];
	_ =	sdelay $0x3  }
0x2c: {  	vm0 =	veq.s32 v2, $0x0  }
0x2d: {  	v1 =	vnsel vm0, $0x20, v1  }
0x2e: {  	p0 =	por $0x1, $0x1;
	v1 =	vadd.s32 v0, v1  }
0x2f: {  	s1 =	simm.s32 @!p0 $0x5;
	[tilespmem:s30+$0x0] =	vst v1  }
0x30: {  	_ =	swait.ge @!p0 [sflag:s1], $0x4000  }
0x31: {  	[sflag:s1] =	ssyncset.done @!p0 $0x0  }
0x32: {  	s0 =	simm.s32 $0x0;
	[sflag:s1] =	ssyncadd.s32 @!p0 $0xFFFFC000  }
0x33: {  	[tilespmem:s14], [sflag:$0x1] =	stream.indirect.gather [spmem:s2], $0x80, s0, s13, $0xb8;
	[tilespmem:$0x1DC00] =	vst v63  }
0x34: {  	_ =	swait.ge [sflag:s15], $0x4000  }
0x35: {  	[sflag:s15] =	ssyncset.done $0x0  }
0x36: {  	s12 =	sadd.s32 $0xFFFFF000, s9;
	s28 =	simm.s32 @!p0 $0x6;
	[sflag:s15] =	ssyncadd.s32 $0xFFFFC000  }
0x37: {  	[hbm4b:s12+s3] =	stream.linear.scatter [tilespmem:s14], [sflag:$0x5], $0x4000, $0x38;
	[tilespmem:$0x1DC00] =	vst v63  }
0x38: {  	_ =	swait.ge @!p0 [sflag:s28], $0x4000  }
0x39: {  	[sflag:s28] =	ssyncset.done @!p0 $0x0  }
0x3a: {  	s31 =	simm.s32 $0x80;
	[sflag:s28] =	ssyncadd.s32 @!p0 $0xFFFFC000  }
0x3b: {  	[tilespmem:s16], [sflag:$0x2] =	stream.indirect.gather [spmem:s2], $0x80, s31, s13, $0xb8;
	[tilespmem:$0x1DC00] =	vst v63  }
0x3c: {  	_ =	swait.ge [sflag:s17], $0x4000  }
0x3d: {  	[sflag:s17] =	ssyncset.done $0x0  }
0x3e: {  	s0 =	sadd.s32 $0xFFFFF800, s9;
	s28 =	simm.s32 @!p0 $0x7;
	[sflag:s17] =	ssyncadd.s32 $0xFFFFC000  }
0x3f: {  	[hbm4b:s0+s3] =	stream.linear.scatter [tilespmem:s16], [sflag:$0x6], $0x4000, $0x38;
	[tilespmem:$0x1DC00] =	vst v63  }
0x40: {  	_ =	swait.ge @!p0 [sflag:s28], $0x4000  }
0x41: {  	[sflag:s28] =	ssyncset.done @!p0 $0x0  }
0x42: {  	s12 =	simm.s32 $0x100;
	[sflag:s28] =	ssyncadd.s32 @!p0 $0xFFFFC000  }
0x43: {  	[tilespmem:s18], [sflag:$0x3] =	stream.indirect.gather [spmem:s2], $0x80, s12, s13, $0xb8;
	[tilespmem:$0x1DC00] =	vst v63  }
0x44: {  	_ =	swait.ge [sflag:s19], $0x4000  }
0x45: {  	[sflag:s19] =	ssyncset.done $0x0  }
0x46: {  	s1 =	simm.s32 @!p0 $0x8;
	[sflag:s19] =	ssyncadd.s32 $0xFFFFC000  }
0x47: {  	[hbm4b:s9+s3] =	stream.linear.scatter [tilespmem:s18], [sflag:$0x7], $0x4000, $0x38;
	[tilespmem:$0x1DC00] =	vst v63  }
0x48: {  	_ =	swait.ge @!p0 [sflag:s1], $0x4000  }
0x49: {  	[sflag:s1] =	ssyncset.done @!p0 $0x0  }
0x4a: {  	s29 =	simm.s32 $0x800;
	s31 =	simm.s32 $0x180;
	[sflag:s1] =	ssyncadd.s32 @!p0 $0xFFFFC000  }
0x4b: {  	[tilespmem:s20], [sflag:$0x4] =	stream.indirect.gather [spmem:s2], $0x80, s31, s13, $0xb8;
	[tilespmem:$0x1DC00] =	vst v63  }
0x4c: {  	s30 =	simm.s32 $0x1000;
	s28 =	sadd.s32 $0x2000, s9;
	_ =	swait.ge [sflag:s21], $0x4000  }
0x4d: {  	p0 =	por $0x0, $0x0;
	s1 =	sadd.s32 $0x800, s9;
	[sflag:s21] =	ssyncset.done $0x0  }
.LBB2_4:
0x4e: {  	s0 =	simm.s32 @!p0 $0x5;
	[sflag:s21] =	ssyncadd.s32 $0xFFFFC000  }
0x4f: {  	s12 =	smov.u32 s30;
	s30 =	sadd.s32 $0x800, s30;
	s31 =	smov.u32 s28  }
0x50: {  	[hbm4b:s1+s3] =	stream.linear.scatter [tilespmem:s20], [sflag:$0x8], $0x4000, $0x38;
	[tilespmem:$0x1DC00] =	vst v63  }
0x51: {  	p1 =	sne.s32 s30, $0x19000;
	_ =	swait.ge @!p0 [sflag:s0], $0x4000  }
0x52: {  	[sflag:s0] =	ssyncset.done @!p0 $0x0  }
0x53: {  	[sflag:s0] =	ssyncadd.s32 @!p0 $0xFFFFC000;
	s0 =	sshra.s32 s29, $0x2;
	s29 =	smov.u32 s12  }
0x54: {  	[tilespmem:s14], [sflag:$0x1] =	stream.indirect.gather [spmem:s2], $0x80, s0, s13, $0xb8;
	[tilespmem:$0x1DC00] =	vst v63  }
0x55: {  	_ =	swait.ge [sflag:s15], $0x4000  }
0x56: {  	[sflag:s15] =	ssyncset.done $0x0  }
0x57: {  	s1 =	sadd.s32 $0xFFFFF000, s28;
	s12 =	simm.s32 @!p0 $0x6;
	[sflag:s15] =	ssyncadd.s32 $0xFFFFC000  }
0x58: {  	[hbm4b:s1+s3] =	stream.linear.scatter [tilespmem:s14], [sflag:$0x5], $0x4000, $0x38;
	[tilespmem:$0x1DC00] =	vst v63  }
0x59: {  	_ =	swait.ge @!p0 [sflag:s12], $0x4000  }
0x5a: {  	[sflag:s12] =	ssyncset.done @!p0 $0x0  }
0x5b: {  	s1 =	sadd.s32 $0x80, s0;
	[sflag:s12] =	ssyncadd.s32 @!p0 $0xFFFFC000  }
0x5c: {  	[tilespmem:s16], [sflag:$0x2] =	stream.indirect.gather [spmem:s2], $0x80, s1, s13, $0xb8;
	[tilespmem:$0x1DC00] =	vst v63  }
0x5d: {  	_ =	swait.ge [sflag:s17], $0x4000  }
0x5e: {  	[sflag:s17] =	ssyncset.done $0x0  }
0x5f: {  	s12 =	simm.s32 @!p0 $0x7;
	s1 =	sadd.s32 $0xFFFFF800, s28;
	[sflag:s17] =	ssyncadd.s32 $0xFFFFC000  }
0x60: {  	[hbm4b:s1+s3] =	stream.linear.scatter [tilespmem:s16], [sflag:$0x6], $0x4000, $0x38;
	[tilespmem:$0x1DC00] =	vst v63  }
0x61: {  	_ =	swait.ge @!p0 [sflag:s12], $0x4000  }
0x62: {  	[sflag:s12] =	ssyncset.done @!p0 $0x0  }
0x63: {  	s1 =	sadd.s32 $0x100, s0;
	[sflag:s12] =	ssyncadd.s32 @!p0 $0xFFFFC000  }
0x64: {  	[tilespmem:s18], [sflag:$0x3] =	stream.indirect.gather [spmem:s2], $0x80, s1, s13, $0xb8;
	[tilespmem:$0x1DC00] =	vst v63  }
0x65: {  	_ =	swait.ge [sflag:s19], $0x4000  }
0x66: {  	[sflag:s19] =	ssyncset.done $0x0  }
0x67: {  	s1 =	simm.s32 @!p0 $0x8;
	[sflag:s19] =	ssyncadd.s32 $0xFFFFC000  }
0x68: {  	[hbm4b:s28+s3] =	stream.linear.scatter [tilespmem:s18], [sflag:$0x7], $0x4000, $0x38;
	[tilespmem:$0x1DC00] =	vst v63  }
0x69: {  	_ =	swait.ge @!p0 [sflag:s1], $0x4000  }
.Ltmp1:
0x6a: {  	[sflag:s1] =	ssyncset.done @!p0 $0x0;
	(pc) =	sbr.rel @p1 .LBB2_4-.Ltmp1, $4  }
0x6b: {  	s0 =	sadd.s32 $0x180, s0;
	[sflag:s1] =	ssyncadd.s32 @!p0 $0xFFFFC000  }
0x6c: {  	[tilespmem:s20], [sflag:$0x4] =	stream.indirect.gather [spmem:s2], $0x80, s0, s13, $0xb8;
	[tilespmem:$0x1DC00] =	vst v63  }
0x6d: {  	s28 =	sadd.s32 $0x2000, s28;
	_ =	swait.ge [sflag:s21], $0x4000  }
0x6e: {  	p0 =	seq.s32 s29, $0x0;
	s1 =	sadd.s32 $0x800, s31;
	[sflag:s21] =	ssyncset.done $0x0  }
0x6f: {  	s0 =	simm.s32 @!p0 $0x5;
	[sflag:s21] =	ssyncadd.s32 $0xFFFFC000  }
0x70: {  	[hbm4b:s1+s3] =	stream.linear.scatter [tilespmem:s20], [sflag:$0x8], $0x4000, $0x38;
	[tilespmem:$0x1DC00] =	vst v63  }
0x71: {  	_ =	swait.ge @!p0 [sflag:s0], $0x4000  }
0x72: {  	[sflag:s0] =	ssyncset.done @!p0 $0x0  }
0x73: {  	[sflag:s0] =	ssyncadd.s32 @!p0 $0xFFFFC000;
	s0 =	sshra.s32 s29, $0x2  }
0x74: {  	[tilespmem:s14], [sflag:$0x1] =	stream.indirect.gather [spmem:s2], $0x80, s0, s13, $0xb8;
	[tilespmem:$0x1DC00] =	vst v63  }
0x75: {  	_ =	swait.ge [sflag:s15], $0x4000  }
0x76: {  	[sflag:s15] =	ssyncset.done $0x0  }
0x77: {  	s31 =	sadd.s32 $0xFFFFF000, s28;
	s12 =	simm.s32 @!p0 $0x6;
	[sflag:s15] =	ssyncadd.s32 $0xFFFFC000  }
0x78: {  	[hbm4b:s31+s3] =	stream.linear.scatter [tilespmem:s14], [sflag:$0x5], $0x4000, $0x38;
	[tilespmem:$0x1DC00] =	vst v63  }
0x79: {  	_ =	swait.ge @!p0 [sflag:s12], $0x4000  }
0x7a: {  	[sflag:s12] =	ssyncset.done @!p0 $0x0  }
0x7b: {  	[sflag:s12] =	ssyncadd.s32 @!p0 $0xFFFFC000;
	s12 =	sadd.s32 $0x80, s0  }
0x7c: {  	[tilespmem:s16], [sflag:$0x2] =	stream.indirect.gather [spmem:s2], $0x80, s12, s13, $0xb8;
	[tilespmem:$0x1DC00] =	vst v63  }
0x7d: {  	_ =	swait.ge [sflag:s17], $0x4000  }
0x7e: {  	[sflag:s17] =	ssyncset.done $0x0  }
0x7f: {  	s29 =	sadd.s32 $0xFFFFF800, s28;
	s12 =	simm.s32 @!p0 $0x7;
	[sflag:s17] =	ssyncadd.s32 $0xFFFFC000  }
0x80: {  	[hbm4b:s29+s3] =	stream.linear.scatter [tilespmem:s16], [sflag:$0x6], $0x4000, $0x38;
	[tilespmem:$0x1DC00] =	vst v63  }
0x81: {  	_ =	swait.ge @!p0 [sflag:s12], $0x4000  }
0x82: {  	[sflag:s12] =	ssyncset.done @!p0 $0x0  }
0x83: {  	s30 =	sadd.s32 $0x100, s0;
	[sflag:s12] =	ssyncadd.s32 @!p0 $0xFFFFC000  }
0x84: {  	[tilespmem:s18], [sflag:$0x3] =	stream.indirect.gather [spmem:s2], $0x80, s30, s13, $0xb8;
	[tilespmem:$0x1DC00] =	vst v63  }
0x85: {  	_ =	swait.ge [sflag:s19], $0x4000  }
0x86: {  	[sflag:s19] =	ssyncset.done $0x0  }
0x87: {  	s1 =	simm.s32 @!p0 $0x8;
	[sflag:s19] =	ssyncadd.s32 $0xFFFFC000  }
0x88: {  	[hbm4b:s28+s3] =	stream.linear.scatter [tilespmem:s18], [sflag:$0x7], $0x4000, $0x38;
	[tilespmem:$0x1DC00] =	vst v63  }
0x89: {  	_ =	swait.ge @!p0 [sflag:s1], $0x4000  }
0x8a: {  	[sflag:s1] =	ssyncset.done @!p0 $0x0  }
0x8b: {  	s0 =	sadd.s32 $0x180, s0;
	[sflag:s1] =	ssyncadd.s32 @!p0 $0xFFFFC000  }
0x8c: {  	[tilespmem:s20], [sflag:$0x4] =	stream.indirect.gather [spmem:s2], $0x80, s0, s13, $0xb8;
	[tilespmem:$0x1DC00] =	vst v63  }
0x8d: {  	_ =	swait.ge [sflag:s21], $0x4000  }
0x8e: {  	[sflag:s21] =	ssyncset.done $0x0  }
0x8f: {  	s31 =	sadd.s32 $0x800, s28;
	[sflag:s21] =	ssyncadd.s32 $0xFFFFC000  }
0x90: {  	[hbm4b:s31+s3] =	stream.linear.scatter [tilespmem:s20], [sflag:$0x8], $0x4000, $0x38;
	[tilespmem:$0x1DC00] =	vst v63  }
0x91: {  	_ =	swait.ge [sflag:s22], $0x4000  }
0x92: {  	[sflag:s22] =	ssyncset.done $0x0  }
0x93: {  	[sflag:s22] =	ssyncadd.s32 $0xFFFFC000  }
0x94: {  	_ =	swait.ge [sflag:s23], $0x4000  }
0x95: {  	[sflag:s23] =	ssyncset.done $0x0  }
0x96: {  	s26 =	sadd.s32 $0x1, s26;
	[sflag:s23] =	ssyncadd.s32 $0xFFFFC000  }
0x97: {  	p0 =	sne.s32 s26, s8;
	_ =	swait.ge [sflag:s24], $0x4000  }
.Ltmp2:
0x98: {  	[sflag:s24] =	ssyncset.done $0x0;
	(pc) =	sbr.rel @p0 .LBB2_1-.Ltmp2, $4  }
0x99: {  	[sflag:s24] =	ssyncadd.s32 $0xFFFFC000  }
0x9a: {  	_ =	swait.ge [sflag:s25], $0x4000  }
0x9b: {  	[sflag:s25] =	ssyncset.done $0x0  }
0x9c: {  	[sflag:s25] =	ssyncadd.s32 $0xFFFFC000  }
0x9d: {  	_ =	sfence.sel $0x180000  }
0x9e: {  	[bflag:$0x0] =	sbarrier.arrive $0xFFFF  }
0x9f: {  	_ =	strace $0x90000047  }
0xa0: {  	s0 =	stileid.u32;
	[bflag:$0x2] =	sbarrier.arrive $0xFFFF  }
0xa1: {  	p0 =	sne.s32 s0, $0x0;
	s0 =	rddreg [dreg:$0x3]  }
0xa2: {  	s0 =	sadd.s32 @!p0 $0x100000, s0  }
0xa3: {  	[sflag:s0] =	ssyncadd.tile.s32 @!p0 $0x1;
	_ =	shalt  }
.Lfunc_end2:
_tile_overlayer_lowered:
.L_overlay_start_2:
0xa4: {  	(tag) =	ssettag $0x2  }
0xa5: {  	s0 =	rddreg [dreg:$0x0];
	s2 =	stileid.u32  }
0xa6: {  	s1 =	rddreg [dreg:$0x1];
	p0 =	sne.s32 s2, $0x0  }
0xa7: {  	s3 =	rddreg [dreg:$0x2];
	[bflag:$0x3] =	sbarrier.arrive $0xFFFF;
	s2 =	simm.s32 @!p0 $0x1C09  }
0xa8: {  	[timem:s3], [sflag:s2] =	dma.local @!p0 [hbm:s0], s1  }
0xa9: {  	s0 =	simm.s32 @!p0 $0x9  }
0xaa: {  	_ =	swait.ge @!p0 [sflag:s0], s1  }
0xab: {  	s1 =	ssub.s32 @!p0 $0x0, s1;
	[sflag:s0] =	ssyncset.done @!p0 $0x0  }
0xac: {  	[sflag:s0] =	ssyncadd.s32 @!p0 s1  }
0xad: {  	[bflag:$0x3] =	sbarrier.arrive $0xFFFF  }
0xae: {  	_ =	shalt  }

</sc_bundles>
